<compile_context>
chip_gen: v7x
topology: tpu7x:2x2x1
jax: 0.10.2.dev20260603
libtpu: 0.0.44.dev20260713+nightly
codegen_flags: <defaults>
</compile_context>

<pallas_src>
import functools

import jax
import jax.numpy as jnp
from jax import lax
from jax.experimental import pallas as pl
from jax.experimental.pallas import tpu as pltpu
from jax.experimental.pallas import tpu_sc as plsc

_BLOCK = 2048
_E = 8
_NT = (((1,), (1,)), ((), ()))
_NW = 32


def _score_kernel(rgb_ref, ir_ref, w_rgb_ref, b_rgb_ref, w_ir_ref, b_ir_ref,
                  sr_ref, si_ref):
    sr = lax.dot_general(rgb_ref[...], w_rgb_ref[...], _NT,
                         preferred_element_type=jnp.float32)
    si = lax.dot_general(ir_ref[...], w_ir_ref[...], _NT,
                         preferred_element_type=jnp.float32)
    sr_ref[...] = sr.T + b_rgb_ref[...].T
    si_ref[...] = si.T + b_ir_ref[...].T


def _sc_top2(v_ref, g):
    vs = [v_ref[e, pl.ds(g, 16)] for e in range(_E)]
    m1 = vs[0]
    i1 = jnp.zeros((16,), jnp.int32)
    for e in range(1, _E):
        gt = vs[e] > m1
        m1 = jnp.where(gt, vs[e], m1)
        i1 = jnp.where(gt, e, i1)
    m2 = jnp.full((16,), -jnp.inf, jnp.float32)
    i2 = jnp.full((16,), 127, jnp.int32)
    z = jnp.zeros((16,), jnp.float32)
    for e in range(_E):
        z = z + jnp.exp(vs[e] - m1)
        ve = jnp.where(i1 == e, -jnp.inf, vs[e])
        gt2 = ve > m2
        m2 = jnp.where(gt2, ve, m2)
        i2 = jnp.where(gt2, e, i2)
    rz = 1.0 / z
    return rz, jnp.exp(m2 - m1) * rz, i1, i2


def _make_sc_route(n):
    chunk = n // _NW
    mesh = plsc.VectorSubcoreMesh(core_axis_name="c", subcore_axis_name="s")

    @functools.partial(
        pl.kernel, mesh=mesh,
        out_type=[
            jax.ShapeDtypeStruct((4, n), jnp.float32),
            jax.ShapeDtypeStruct((2, n), jnp.int32),
            jax.ShapeDtypeStruct((2, n), jnp.int32),
        ],
        scratch_types=[
            pltpu.VMEM((_E, chunk), jnp.float32),
            pltpu.VMEM((_E, chunk), jnp.float32),
            pltpu.VMEM((4, chunk), jnp.float32),
            pltpu.VMEM((2, chunk), jnp.int32),
            pltpu.VMEM((2, chunk), jnp.int32),
            pltpu.SemaphoreType.DMA,
        ],
    )
    def sc_route(sr_hbm, si_hbm, probs_hbm, ixr_hbm, ixi_hbm,
                 sr_v, si_v, p_v, xr_v, xi_v, sem):
        wid = lax.axis_index("s") * 2 + lax.axis_index("c")
        base = wid * chunk
        pltpu.async_copy(sr_hbm.at[:, pl.ds(base, chunk)], sr_v, sem).wait()
        pltpu.async_copy(si_hbm.at[:, pl.ds(base, chunk)], si_v, sem).wait()

        @pl.loop(0, chunk, step=16)
        def _(g):
            p1r, p2r, i1r, i2r = _sc_top2(sr_v, g)
            p1i, p2i, i1i, i2i = _sc_top2(si_v, g)
            e1r, e2r = jnp.exp(p1r), jnp.exp(p2r)
            e1i, e2i = jnp.exp(p1i), jnp.exp(p2i)
            rden = 1.0 / (e1r + e2r + e1i + e2i)
            sl = pl.ds(g, 16)
            p_v[0, sl] = e1r * rden
            p_v[1, sl] = e2r * rden
            p_v[2, sl] = e1i * rden
            p_v[3, sl] = e2i * rden
            xr_v[0, sl] = i1r
            xr_v[1, sl] = i2r
            xi_v[0, sl] = i1i
            xi_v[1, sl] = i2i

        pltpu.async_copy(p_v, probs_hbm.at[:, pl.ds(base, chunk)], sem).wait()
        pltpu.async_copy(xr_v, ixr_hbm.at[:, pl.ds(base, chunk)], sem).wait()
        pltpu.async_copy(xi_v, ixi_hbm.at[:, pl.ds(base, chunk)], sem).wait()

    return sc_route


@functools.partial(jax.jit, static_argnames=("interpret",))
def kernel(rgb_local, ir_local, W_rgb, b_rgb, W_ir, b_ir, interpret=False):
    n = rgb_local.shape[0]
    d = rgb_local.shape[1]
    grid = n // _BLOCK

    row_spec = pl.BlockSpec((_BLOCK, d), lambda i: (i, 0))
    w_spec = pl.BlockSpec((_E, d), lambda i: (0, 0))
    b_spec = pl.BlockSpec((1, _E), lambda i: (0, 0))

    sr_t, si_t = pl.pallas_call(
        _score_kernel,
        grid=(grid,),
        in_specs=[row_spec, row_spec, w_spec, b_spec, w_spec, b_spec],
        out_specs=[
            pl.BlockSpec((_E, _BLOCK), lambda i: (0, i)),
            pl.BlockSpec((_E, _BLOCK), lambda i: (0, i)),
        ],
        out_shape=[
            jax.ShapeDtypeStruct((_E, n), jnp.float32),
            jax.ShapeDtypeStruct((_E, n), jnp.float32),
        ],
        interpret=interpret,
    )(rgb_local, ir_local, W_rgb, b_rgb.reshape(1, _E),
      W_ir, b_ir.reshape(1, _E))

    probs_t, idx_rgb_t, idx_ir_t = _make_sc_route(n)(sr_t, si_t)
    return probs_t.T, idx_rgb_t.T, idx_ir_t.T

# --- scband reference (transcript-rebuilt; emitter-appended) ---
"""Pipeline reference for scband-gate-network-local-68659347194404 (READ-ONLY COPY).

The authoritative reference and input builder live on the scoring server;
editing this copy changes nothing except your own understanding.
"""

import jax, jax.numpy as jnp
import numpy as np

TOP_K = 2

def setup_inputs(seed: int = 0) -> dict:
    key = jax.random.key(seed)
    ks = jax.random.split(key, 4)
    N, D, E = 32768, 768, 8
    return {
        "rgb_local": jax.random.normal(ks[0], (N, D), dtype=jnp.float32),
        "ir_local": jax.random.normal(ks[1], (N, D), dtype=jnp.float32),
        "W_rgb": jax.random.normal(ks[2], (E, D), dtype=jnp.float32) * 0.02,
        "b_rgb": jnp.zeros((E,), dtype=jnp.float32),
        "W_ir": jax.random.normal(ks[3], (E, D), dtype=jnp.float32) * 0.02,
        "b_ir": jnp.zeros((E,), dtype=jnp.float32),
    }

def reference(rgb_local, ir_local, W_rgb, b_rgb, W_ir, b_ir):
    rgb = rgb_local.reshape(rgb_local.shape[0], -1)
    ir = ir_local.reshape(ir_local.shape[0], -1)
    scores_rgb = rgb @ W_rgb.T + b_rgb
    scores_ir = ir @ W_ir.T + b_ir
    probs_rgb = jax.nn.softmax(scores_rgb, axis=-1)
    probs_ir = jax.nn.softmax(scores_ir, axis=-1)
    top_k_scores_rgb, top_k_indices_rgb = jax.lax.top_k(probs_rgb, TOP_K)
    top_k_scores_ir, top_k_indices_ir = jax.lax.top_k(probs_ir, TOP_K)
    probs = jax.nn.softmax(jnp.concatenate([top_k_scores_rgb, top_k_scores_ir], axis=-1), axis=-1)
    return (probs, top_k_indices_rgb, top_k_indices_ir)

if __name__ == "__main__":
    import jax
    _d = setup_inputs()
    print(jax.jit(kernel)(*tuple(_d.values())))

</pallas_src>

<mosaic_0001>
#map = affine_map<(d0, d1) -> (0, 0)>
module attributes {stable_mosaic.version = 14 : i64} {
  func.func @sc_route(%arg0: i32, %arg1: i32, %arg2: memref<8x32768xf32, #tpu.memory_space<hbm>>, %arg3: memref<8x32768xf32, #tpu.memory_space<hbm>>, %arg4: memref<4x32768xf32, #tpu.memory_space<hbm>>, %arg5: memref<2x32768xi32, #tpu.memory_space<hbm>>, %arg6: memref<2x32768xi32, #tpu.memory_space<hbm>>, %arg7: memref<8x1024xf32, #tpu.memory_space<vmem>>, %arg8: memref<8x1024xf32, #tpu.memory_space<vmem>>, %arg9: memref<4x1024xf32, #tpu.memory_space<vmem>>, %arg10: memref<2x1024xi32, #tpu.memory_space<vmem>>, %arg11: memref<2x1024xi32, #tpu.memory_space<vmem>>, %arg12: memref<!tpu.dma_semaphore, #tpu.memory_space<semaphore_mem>>) attributes {dimension_semantics = [#tpu.dimension_semantics<core_parallel>, #tpu.dimension_semantics<subcore_parallel>], iteration_bounds = array<i64: 2, 16>, scalar_prefetch = 0 : i64, scratch_operands = 6 : i64, tpu.core_type = #tpu.core_type<sc_vector_subcore>, window_params = [{transform_indices = #map}, {transform_indices = #map}, {transform_indices = #map}, {transform_indices = #map}, {transform_indices = #map}]} {
    %mul3A = arith.constant 2 : i32
    %mul3A_0 = arith.muli %arg1, %mul3A : i32
    %add3A = arith.addi %mul3A_0, %arg0 : i32
    %mul3A_1 = arith.constant 1024 : i32
    %mul3A_2 = arith.muli %add3A, %mul3A_1 : i32
    %dma_start3A = arith.constant 0 : i32
    %dma_start3A_3 = tpu.memref_slice %arg2[%dma_start3A, %mul3A_2] : memref<8x32768xf32, #tpu.memory_space<hbm>> -> memref<8x1024xf32, #tpu.memory_space<hbm>>
    %dma_start3A_4 = arith.constant 0 : i32
    %dma_start3A_5 = tpu.memref_slice %arg2[%dma_start3A_4, %mul3A_2] : memref<8x32768xf32, #tpu.memory_space<hbm>> -> memref<8x1024xf32, #tpu.memory_space<hbm>>
    tpu.enqueue_dma source(%dma_start3A_5 : memref<8x1024xf32, #tpu.memory_space<hbm>>) target(%arg7 : memref<8x1024xf32, #tpu.memory_space<vmem>>) target_semaphore(%arg12 : memref<!tpu.dma_semaphore, #tpu.memory_space<semaphore_mem>>)
    %dma_wait3A = arith.constant 0 : i32
    %dma_wait3A_6 = tpu.memref_slice %arg2[%dma_wait3A, %mul3A_2] : memref<8x32768xf32, #tpu.memory_space<hbm>> -> memref<8x1024xf32, #tpu.memory_space<hbm>>
    %dma_wait3A_7 = arith.constant 0 : i32
    %dma_wait3A_8 = tpu.memref_slice %arg2[%dma_wait3A_7, %mul3A_2] : memref<8x32768xf32, #tpu.memory_space<hbm>> -> memref<8x1024xf32, #tpu.memory_space<hbm>>
    tpu.wait_dma2 semaphore(%arg12 : memref<!tpu.dma_semaphore, #tpu.memory_space<semaphore_mem>>) src(%dma_wait3A_8 : memref<8x1024xf32, #tpu.memory_space<hbm>>) dst(%arg7 : memref<8x1024xf32, #tpu.memory_space<vmem>>)
    %dma_start3A_9 = arith.constant 0 : i32
    %dma_start3A_10 = tpu.memref_slice %arg3[%dma_start3A_9, %mul3A_2] : memref<8x32768xf32, #tpu.memory_space<hbm>> -> memref<8x1024xf32, #tpu.memory_space<hbm>>
    %dma_start3A_11 = arith.constant 0 : i32
    %dma_start3A_12 = tpu.memref_slice %arg3[%dma_start3A_11, %mul3A_2] : memref<8x32768xf32, #tpu.memory_space<hbm>> -> memref<8x1024xf32, #tpu.memory_space<hbm>>
    tpu.enqueue_dma source(%dma_start3A_12 : memref<8x1024xf32, #tpu.memory_space<hbm>>) target(%arg8 : memref<8x1024xf32, #tpu.memory_space<vmem>>) target_semaphore(%arg12 : memref<!tpu.dma_semaphore, #tpu.memory_space<semaphore_mem>>)
    %dma_wait3A_13 = arith.constant 0 : i32
    %dma_wait3A_14 = tpu.memref_slice %arg3[%dma_wait3A_13, %mul3A_2] : memref<8x32768xf32, #tpu.memory_space<hbm>> -> memref<8x1024xf32, #tpu.memory_space<hbm>>
    %dma_wait3A_15 = arith.constant 0 : i32
    %dma_wait3A_16 = tpu.memref_slice %arg3[%dma_wait3A_15, %mul3A_2] : memref<8x32768xf32, #tpu.memory_space<hbm>> -> memref<8x1024xf32, #tpu.memory_space<hbm>>
    tpu.wait_dma2 semaphore(%arg12 : memref<!tpu.dma_semaphore, #tpu.memory_space<semaphore_mem>>) src(%dma_wait3A_16 : memref<8x1024xf32, #tpu.memory_space<hbm>>) dst(%arg8 : memref<8x1024xf32, #tpu.memory_space<vmem>>)
    %scan3A = arith.constant 0 : i32
    %scan3A_17 = arith.constant 64 : i32
    %scan3A_18 = arith.addi %scan3A, %scan3A_17 : i32
    %scan3A_19 = arith.constant 1 : i32
    scf.for %scan3A_45 = %scan3A to %scan3A_18 step %scan3A_19  : i32 {
      %mul3A_46 = arith.constant 16 : i32
      %mul3A_47 = arith.muli %scan3A_45, %mul3A_46 : i32
      %add3A_48 = arith.constant 0 : i32
      %add3A_49 = arith.addi %add3A_48, %mul3A_47 : i32
      %get3A = arith.constant 0 : i32
      %get3A_50 = arith.index_cast %get3A : i32 to index
      %get3A_51 = arith.index_cast %add3A_49 : i32 to index
      %get3A_52 = tpu.vector_load %arg7[%get3A_50, %get3A_51] {strides = array<i32>} : memref<8x1024xf32, #tpu.memory_space<vmem>>, vector<1x16xf32>,
      %get3A_53 = vector.shape_cast %get3A_52 : vector<1x16xf32> to vector<16xf32>
      %get3A_54 = arith.constant 1 : i32
      %get3A_55 = arith.index_cast %get3A_54 : i32 to index
      %get3A_56 = arith.index_cast %add3A_49 : i32 to index
      %get3A_57 = tpu.vector_load %arg7[%get3A_55, %get3A_56] {strides = array<i32>} : memref<8x1024xf32, #tpu.memory_space<vmem>>, vector<1x16xf32>,
      %get3A_58 = vector.shape_cast %get3A_57 : vector<1x16xf32> to vector<16xf32>
      %get3A_59 = arith.constant 2 : i32
      %get3A_60 = arith.index_cast %get3A_59 : i32 to index
      %get3A_61 = arith.index_cast %add3A_49 : i32 to index
      %get3A_62 = tpu.vector_load %arg7[%get3A_60, %get3A_61] {strides = array<i32>} : memref<8x1024xf32, #tpu.memory_space<vmem>>, vector<1x16xf32>,
      %get3A_63 = vector.shape_cast %get3A_62 : vector<1x16xf32> to vector<16xf32>
      %get3A_64 = arith.constant 3 : i32
      %get3A_65 = arith.index_cast %get3A_64 : i32 to index
      %get3A_66 = arith.index_cast %add3A_49 : i32 to index
      %get3A_67 = tpu.vector_load %arg7[%get3A_65, %get3A_66] {strides = array<i32>} : memref<8x1024xf32, #tpu.memory_space<vmem>>, vector<1x16xf32>,
      %get3A_68 = vector.shape_cast %get3A_67 : vector<1x16xf32> to vector<16xf32>
      %get3A_69 = arith.constant 4 : i32
      %get3A_70 = arith.index_cast %get3A_69 : i32 to index
      %get3A_71 = arith.index_cast %add3A_49 : i32 to index
      %get3A_72 = tpu.vector_load %arg7[%get3A_70, %get3A_71] {strides = array<i32>} : memref<8x1024xf32, #tpu.memory_space<vmem>>, vector<1x16xf32>,
      %get3A_73 = vector.shape_cast %get3A_72 : vector<1x16xf32> to vector<16xf32>
      %get3A_74 = arith.constant 5 : i32
      %get3A_75 = arith.index_cast %get3A_74 : i32 to index
      %get3A_76 = arith.index_cast %add3A_49 : i32 to index
      %get3A_77 = tpu.vector_load %arg7[%get3A_75, %get3A_76] {strides = array<i32>} : memref<8x1024xf32, #tpu.memory_space<vmem>>, vector<1x16xf32>,
      %get3A_78 = vector.shape_cast %get3A_77 : vector<1x16xf32> to vector<16xf32>
      %get3A_79 = arith.constant 6 : i32
      %get3A_80 = arith.index_cast %get3A_79 : i32 to index
      %get3A_81 = arith.index_cast %add3A_49 : i32 to index
      %get3A_82 = tpu.vector_load %arg7[%get3A_80, %get3A_81] {strides = array<i32>} : memref<8x1024xf32, #tpu.memory_space<vmem>>, vector<1x16xf32>,
      %get3A_83 = vector.shape_cast %get3A_82 : vector<1x16xf32> to vector<16xf32>
      %get3A_84 = arith.constant 7 : i32
      %get3A_85 = arith.index_cast %get3A_84 : i32 to index
      %get3A_86 = arith.index_cast %add3A_49 : i32 to index
      %get3A_87 = tpu.vector_load %arg7[%get3A_85, %get3A_86] {strides = array<i32>} : memref<8x1024xf32, #tpu.memory_space<vmem>>, vector<1x16xf32>,
      %get3A_88 = vector.shape_cast %get3A_87 : vector<1x16xf32> to vector<16xf32>
      %broadcast_in_dim3A = arith.constant 0 : i32
      %broadcast_in_dim3A_89 = vector.broadcast %broadcast_in_dim3A : i32 to vector<16xi32>
      %gt3A = arith.cmpf ogt, %get3A_58, %get3A_53 : vector<16xf32>
      %select_n3A = arith.select %gt3A, %get3A_58, %get3A_53 : vector<16xi1>, vector<16xf32>
      %jit3A = arith.constant 1 : i32
      %broadcast_in_dim3A_90 = vector.broadcast %jit3A : i32 to vector<16xi32>
      %select_n3A_91 = arith.select %gt3A, %broadcast_in_dim3A_90, %broadcast_in_dim3A_89 : vector<16xi1>, vector<16xi32>
      %gt3A_92 = arith.cmpf ogt, %get3A_63, %select_n3A : vector<16xf32>
      %select_n3A_93 = arith.select %gt3A_92, %get3A_63, %select_n3A : vector<16xi1>, vector<16xf32>
      %jit3A_94 = arith.constant 2 : i32
      %broadcast_in_dim3A_95 = vector.broadcast %jit3A_94 : i32 to vector<16xi32>
      %select_n3A_96 = arith.select %gt3A_92, %broadcast_in_dim3A_95, %select_n3A_91 : vector<16xi1>, vector<16xi32>
      %gt3A_97 = arith.cmpf ogt, %get3A_68, %select_n3A_93 : vector<16xf32>
      %select_n3A_98 = arith.select %gt3A_97, %get3A_68, %select_n3A_93 : vector<16xi1>, vector<16xf32>
      %jit3A_99 = arith.constant 3 : i32
      %broadcast_in_dim3A_100 = vector.broadcast %jit3A_99 : i32 to vector<16xi32>
      %select_n3A_101 = arith.select %gt3A_97, %broadcast_in_dim3A_100, %select_n3A_96 : vector<16xi1>, vector<16xi32>
      %gt3A_102 = arith.cmpf ogt, %get3A_73, %select_n3A_98 : vector<16xf32>
      %select_n3A_103 = arith.select %gt3A_102, %get3A_73, %select_n3A_98 : vector<16xi1>, vector<16xf32>
      %jit3A_104 = arith.constant 4 : i32
      %broadcast_in_dim3A_105 = vector.broadcast %jit3A_104 : i32 to vector<16xi32>
      %select_n3A_106 = arith.select %gt3A_102, %broadcast_in_dim3A_105, %select_n3A_101 : vector<16xi1>, vector<16xi32>
      %gt3A_107 = arith.cmpf ogt, %get3A_78, %select_n3A_103 : vector<16xf32>
      %select_n3A_108 = arith.select %gt3A_107, %get3A_78, %select_n3A_103 : vector<16xi1>, vector<16xf32>
      %jit3A_109 = arith.constant 5 : i32
      %broadcast_in_dim3A_110 = vector.broadcast %jit3A_109 : i32 to vector<16xi32>
      %select_n3A_111 = arith.select %gt3A_107, %broadcast_in_dim3A_110, %select_n3A_106 : vector<16xi1>, vector<16xi32>
      %gt3A_112 = arith.cmpf ogt, %get3A_83, %select_n3A_108 : vector<16xf32>
      %select_n3A_113 = arith.select %gt3A_112, %get3A_83, %select_n3A_108 : vector<16xi1>, vector<16xf32>
      %jit3A_114 = arith.constant 6 : i32
      %broadcast_in_dim3A_115 = vector.broadcast %jit3A_114 : i32 to vector<16xi32>
      %select_n3A_116 = arith.select %gt3A_112, %broadcast_in_dim3A_115, %select_n3A_111 : vector<16xi1>, vector<16xi32>
      %gt3A_117 = arith.cmpf ogt, %get3A_88, %select_n3A_113 : vector<16xf32>
      %select_n3A_118 = arith.select %gt3A_117, %get3A_88, %select_n3A_113 : vector<16xi1>, vector<16xf32>
      %jit3A_119 = arith.constant 7 : i32
      %broadcast_in_dim3A_120 = vector.broadcast %jit3A_119 : i32 to vector<16xi32>
      %select_n3A_121 = arith.select %gt3A_117, %broadcast_in_dim3A_120, %select_n3A_116 : vector<16xi1>, vector<16xi32>
      %broadcast_in_dim3A_122 = arith.constant 0xFF800000 : f32
      %broadcast_in_dim3A_123 = vector.broadcast %broadcast_in_dim3A_122 : f32 to vector<16xf32>
      %broadcast_in_dim3A_124 = arith.constant 127 : i32
      %broadcast_in_dim3A_125 = vector.broadcast %broadcast_in_dim3A_124 : i32 to vector<16xi32>
      %broadcast_in_dim3A_126 = arith.constant 0.000000e+00 : f32
      %broadcast_in_dim3A_127 = vector.broadcast %broadcast_in_dim3A_126 : f32 to vector<16xf32>
      %sub3A = arith.subf %get3A_53, %select_n3A_118 : vector<16xf32>
      %exp3A = math.exp %sub3A : vector<16xf32>
      %add3A_128 = arith.addf %broadcast_in_dim3A_127, %exp3A : vector<16xf32>
      %eq3A = arith.constant 0 : i32
      %eq3A_129 = vector.broadcast %eq3A : i32 to vector<16xi32>
      %eq3A_130 = arith.cmpi eq, %select_n3A_121, %eq3A_129 : vector<16xi32>
      %jit3A_131 = arith.constant 0xFF800000 : f32
      %broadcast_in_dim3A_132 = vector.broadcast %jit3A_131 : f32 to vector<16xf32>
      %select_n3A_133 = arith.select %eq3A_130, %broadcast_in_dim3A_132, %get3A_53 : vector<16xi1>, vector<16xf32>
      %gt3A_134 = arith.cmpf ogt, %select_n3A_133, %broadcast_in_dim3A_123 : vector<16xf32>
      %select_n3A_135 = arith.select %gt3A_134, %select_n3A_133, %broadcast_in_dim3A_123 : vector<16xi1>, vector<16xf32>
      %jit3A_136 = arith.constant 0 : i32
      %broadcast_in_dim3A_137 = vector.broadcast %jit3A_136 : i32 to vector<16xi32>
      %select_n3A_138 = arith.select %gt3A_134, %broadcast_in_dim3A_137, %broadcast_in_dim3A_125 : vector<16xi1>, vector<16xi32>
      %sub3A_139 = arith.subf %get3A_58, %select_n3A_118 : vector<16xf32>
      %exp3A_140 = math.exp %sub3A_139 : vector<16xf32>
      %add3A_141 = arith.addf %add3A_128, %exp3A_140 : vector<16xf32>
      %eq3A_142 = arith.constant 1 : i32
      %eq3A_143 = vector.broadcast %eq3A_142 : i32 to vector<16xi32>
      %eq3A_144 = arith.cmpi eq, %select_n3A_121, %eq3A_143 : vector<16xi32>
      %jit3A_145 = arith.constant 0xFF800000 : f32
      %broadcast_in_dim3A_146 = vector.broadcast %jit3A_145 : f32 to vector<16xf32>
      %select_n3A_147 = arith.select %eq3A_144, %broadcast_in_dim3A_146, %get3A_58 : vector<16xi1>, vector<16xf32>
      %gt3A_148 = arith.cmpf ogt, %select_n3A_147, %select_n3A_135 : vector<16xf32>
      %select_n3A_149 = arith.select %gt3A_148, %select_n3A_147, %select_n3A_135 : vector<16xi1>, vector<16xf32>
      %jit3A_150 = arith.constant 1 : i32
      %broadcast_in_dim3A_151 = vector.broadcast %jit3A_150 : i32 to vector<16xi32>
      %select_n3A_152 = arith.select %gt3A_148, %broadcast_in_dim3A_151, %select_n3A_138 : vector<16xi1>, vector<16xi32>
      %sub3A_153 = arith.subf %get3A_63, %select_n3A_118 : vector<16xf32>
      %exp3A_154 = math.exp %sub3A_153 : vector<16xf32>
      %add3A_155 = arith.addf %add3A_141, %exp3A_154 : vector<16xf32>
      %eq3A_156 = arith.constant 2 : i32
      %eq3A_157 = vector.broadcast %eq3A_156 : i32 to vector<16xi32>
      %eq3A_158 = arith.cmpi eq, %select_n3A_121, %eq3A_157 : vector<16xi32>
      %jit3A_159 = arith.constant 0xFF800000 : f32
      %broadcast_in_dim3A_160 = vector.broadcast %jit3A_159 : f32 to vector<16xf32>
      %select_n3A_161 = arith.select %eq3A_158, %broadcast_in_dim3A_160, %get3A_63 : vector<16xi1>, vector<16xf32>
      %gt3A_162 = arith.cmpf ogt, %select_n3A_161, %select_n3A_149 : vector<16xf32>
      %select_n3A_163 = arith.select %gt3A_162, %select_n3A_161, %select_n3A_149 : vector<16xi1>, vector<16xf32>
      %jit3A_164 = arith.constant 2 : i32
      %broadcast_in_dim3A_165 = vector.broadcast %jit3A_164 : i32 to vector<16xi32>
      %select_n3A_166 = arith.select %gt3A_162, %broadcast_in_dim3A_165, %select_n3A_152 : vector<16xi1>, vector<16xi32>
      %sub3A_167 = arith.subf %get3A_68, %select_n3A_118 : vector<16xf32>
      %exp3A_168 = math.exp %sub3A_167 : vector<16xf32>
      %add3A_169 = arith.addf %add3A_155, %exp3A_168 : vector<16xf32>
      %eq3A_170 = arith.constant 3 : i32
      %eq3A_171 = vector.broadcast %eq3A_170 : i32 to vector<16xi32>
      %eq3A_172 = arith.cmpi eq, %select_n3A_121, %eq3A_171 : vector<16xi32>
      %jit3A_173 = arith.constant 0xFF800000 : f32
      %broadcast_in_dim3A_174 = vector.broadcast %jit3A_173 : f32 to vector<16xf32>
      %select_n3A_175 = arith.select %eq3A_172, %broadcast_in_dim3A_174, %get3A_68 : vector<16xi1>, vector<16xf32>
      %gt3A_176 = arith.cmpf ogt, %select_n3A_175, %select_n3A_163 : vector<16xf32>
      %select_n3A_177 = arith.select %gt3A_176, %select_n3A_175, %select_n3A_163 : vector<16xi1>, vector<16xf32>
      %jit3A_178 = arith.constant 3 : i32
      %broadcast_in_dim3A_179 = vector.broadcast %jit3A_178 : i32 to vector<16xi32>
      %select_n3A_180 = arith.select %gt3A_176, %broadcast_in_dim3A_179, %select_n3A_166 : vector<16xi1>, vector<16xi32>
      %sub3A_181 = arith.subf %get3A_73, %select_n3A_118 : vector<16xf32>
      %exp3A_182 = math.exp %sub3A_181 : vector<16xf32>
      %add3A_183 = arith.addf %add3A_169, %exp3A_182 : vector<16xf32>
      %eq3A_184 = arith.constant 4 : i32
      %eq3A_185 = vector.broadcast %eq3A_184 : i32 to vector<16xi32>
      %eq3A_186 = arith.cmpi eq, %select_n3A_121, %eq3A_185 : vector<16xi32>
      %jit3A_187 = arith.constant 0xFF800000 : f32
      %broadcast_in_dim3A_188 = vector.broadcast %jit3A_187 : f32 to vector<16xf32>
      %select_n3A_189 = arith.select %eq3A_186, %broadcast_in_dim3A_188, %get3A_73 : vector<16xi1>, vector<16xf32>
      %gt3A_190 = arith.cmpf ogt, %select_n3A_189, %select_n3A_177 : vector<16xf32>
      %select_n3A_191 = arith.select %gt3A_190, %select_n3A_189, %select_n3A_177 : vector<16xi1>, vector<16xf32>
      %jit3A_192 = arith.constant 4 : i32
      %broadcast_in_dim3A_193 = vector.broadcast %jit3A_192 : i32 to vector<16xi32>
      %select_n3A_194 = arith.select %gt3A_190, %broadcast_in_dim3A_193, %select_n3A_180 : vector<16xi1>, vector<16xi32>
      %sub3A_195 = arith.subf %get3A_78, %select_n3A_118 : vector<16xf32>
      %exp3A_196 = math.exp %sub3A_195 : vector<16xf32>
      %add3A_197 = arith.addf %add3A_183, %exp3A_196 : vector<16xf32>
      %eq3A_198 = arith.constant 5 : i32
      %eq3A_199 = vector.broadcast %eq3A_198 : i32 to vector<16xi32>
      %eq3A_200 = arith.cmpi eq, %select_n3A_121, %eq3A_199 : vector<16xi32>
      %jit3A_201 = arith.constant 0xFF800000 : f32
      %broadcast_in_dim3A_202 = vector.broadcast %jit3A_201 : f32 to vector<16xf32>
      %select_n3A_203 = arith.select %eq3A_200, %broadcast_in_dim3A_202, %get3A_78 : vector<16xi1>, vector<16xf32>
      %gt3A_204 = arith.cmpf ogt, %select_n3A_203, %select_n3A_191 : vector<16xf32>
      %select_n3A_205 = arith.select %gt3A_204, %select_n3A_203, %select_n3A_191 : vector<16xi1>, vector<16xf32>
      %jit3A_206 = arith.constant 5 : i32
      %broadcast_in_dim3A_207 = vector.broadcast %jit3A_206 : i32 to vector<16xi32>
      %select_n3A_208 = arith.select %gt3A_204, %broadcast_in_dim3A_207, %select_n3A_194 : vector<16xi1>, vector<16xi32>
      %sub3A_209 = arith.subf %get3A_83, %select_n3A_118 : vector<16xf32>
      %exp3A_210 = math.exp %sub3A_209 : vector<16xf32>
      %add3A_211 = arith.addf %add3A_197, %exp3A_210 : vector<16xf32>
      %eq3A_212 = arith.constant 6 : i32
      %eq3A_213 = vector.broadcast %eq3A_212 : i32 to vector<16xi32>
      %eq3A_214 = arith.cmpi eq, %select_n3A_121, %eq3A_213 : vector<16xi32>
      %jit3A_215 = arith.constant 0xFF800000 : f32
      %broadcast_in_dim3A_216 = vector.broadcast %jit3A_215 : f32 to vector<16xf32>
      %select_n3A_217 = arith.select %eq3A_214, %broadcast_in_dim3A_216, %get3A_83 : vector<16xi1>, vector<16xf32>
      %gt3A_218 = arith.cmpf ogt, %select_n3A_217, %select_n3A_205 : vector<16xf32>
      %select_n3A_219 = arith.select %gt3A_218, %select_n3A_217, %select_n3A_205 : vector<16xi1>, vector<16xf32>
      %jit3A_220 = arith.constant 6 : i32
      %broadcast_in_dim3A_221 = vector.broadcast %jit3A_220 : i32 to vector<16xi32>
      %select_n3A_222 = arith.select %gt3A_218, %broadcast_in_dim3A_221, %select_n3A_208 : vector<16xi1>, vector<16xi32>
      %sub3A_223 = arith.subf %get3A_88, %select_n3A_118 : vector<16xf32>
      %exp3A_224 = math.exp %sub3A_223 : vector<16xf32>
      %add3A_225 = arith.addf %add3A_211, %exp3A_224 : vector<16xf32>
      %eq3A_226 = arith.constant 7 : i32
      %eq3A_227 = vector.broadcast %eq3A_226 : i32 to vector<16xi32>
      %eq3A_228 = arith.cmpi eq, %select_n3A_121, %eq3A_227 : vector<16xi32>
      %jit3A_229 = arith.constant 0xFF800000 : f32
      %broadcast_in_dim3A_230 = vector.broadcast %jit3A_229 : f32 to vector<16xf32>
      %select_n3A_231 = arith.select %eq3A_228, %broadcast_in_dim3A_230, %get3A_88 : vector<16xi1>, vector<16xf32>
      %gt3A_232 = arith.cmpf ogt, %select_n3A_231, %select_n3A_219 : vector<16xf32>
      %select_n3A_233 = arith.select %gt3A_232, %select_n3A_231, %select_n3A_219 : vector<16xi1>, vector<16xf32>
      %jit3A_234 = arith.constant 7 : i32
      %broadcast_in_dim3A_235 = vector.broadcast %jit3A_234 : i32 to vector<16xi32>
      %select_n3A_236 = arith.select %gt3A_232, %broadcast_in_dim3A_235, %select_n3A_222 : vector<16xi1>, vector<16xi32>
      %div3A = arith.constant 1.000000e+00 : f32
      %div3A_237 = vector.broadcast %div3A : f32 to vector<16xf32>
      %div3A_238 = arith.divf %div3A_237, %add3A_225 : vector<16xf32>
      %sub3A_239 = arith.subf %select_n3A_233, %select_n3A_118 : vector<16xf32>
      %exp3A_240 = math.exp %sub3A_239 : vector<16xf32>
      %mul3A_241 = arith.mulf %exp3A_240, %div3A_238 : vector<16xf32>
      %get3A_242 = arith.constant 0 : i32
      %get3A_243 = arith.index_cast %get3A_242 : i32 to index
      %get3A_244 = arith.index_cast %add3A_49 : i32 to index
      %get3A_245 = tpu.vector_load %arg8[%get3A_243, %get3A_244] {strides = array<i32>} : memref<8x1024xf32, #tpu.memory_space<vmem>>, vector<1x16xf32>,
      %get3A_246 = vector.shape_cast %get3A_245 : vector<1x16xf32> to vector<16xf32>
      %get3A_247 = arith.constant 1 : i32
      %get3A_248 = arith.index_cast %get3A_247 : i32 to index
      %get3A_249 = arith.index_cast %add3A_49 : i32 to index
      %get3A_250 = tpu.vector_load %arg8[%get3A_248, %get3A_249] {strides = array<i32>} : memref<8x1024xf32, #tpu.memory_space<vmem>>, vector<1x16xf32>,
      %get3A_251 = vector.shape_cast %get3A_250 : vector<1x16xf32> to vector<16xf32>
      %get3A_252 = arith.constant 2 : i32
      %get3A_253 = arith.index_cast %get3A_252 : i32 to index
      %get3A_254 = arith.index_cast %add3A_49 : i32 to index
      %get3A_255 = tpu.vector_load %arg8[%get3A_253, %get3A_254] {strides = array<i32>} : memref<8x1024xf32, #tpu.memory_space<vmem>>, vector<1x16xf32>,
      %get3A_256 = vector.shape_cast %get3A_255 : vector<1x16xf32> to vector<16xf32>
      %get3A_257 = arith.constant 3 : i32
      %get3A_258 = arith.index_cast %get3A_257 : i32 to index
      %get3A_259 = arith.index_cast %add3A_49 : i32 to index
      %get3A_260 = tpu.vector_load %arg8[%get3A_258, %get3A_259] {strides = array<i32>} : memref<8x1024xf32, #tpu.memory_space<vmem>>, vector<1x16xf32>,
      %get3A_261 = vector.shape_cast %get3A_260 : vector<1x16xf32> to vector<16xf32>
      %get3A_262 = arith.constant 4 : i32
      %get3A_263 = arith.index_cast %get3A_262 : i32 to index
      %get3A_264 = arith.index_cast %add3A_49 : i32 to index
      %get3A_265 = tpu.vector_load %arg8[%get3A_263, %get3A_264] {strides = array<i32>} : memref<8x1024xf32, #tpu.memory_space<vmem>>, vector<1x16xf32>,
      %get3A_266 = vector.shape_cast %get3A_265 : vector<1x16xf32> to vector<16xf32>
      %get3A_267 = arith.constant 5 : i32
      %get3A_268 = arith.index_cast %get3A_267 : i32 to index
      %get3A_269 = arith.index_cast %add3A_49 : i32 to index
      %get3A_270 = tpu.vector_load %arg8[%get3A_268, %get3A_269] {strides = array<i32>} : memref<8x1024xf32, #tpu.memory_space<vmem>>, vector<1x16xf32>,
      %get3A_271 = vector.shape_cast %get3A_270 : vector<1x16xf32> to vector<16xf32>
      %get3A_272 = arith.constant 6 : i32
      %get3A_273 = arith.index_cast %get3A_272 : i32 to index
      %get3A_274 = arith.index_cast %add3A_49 : i32 to index
      %get3A_275 = tpu.vector_load %arg8[%get3A_273, %get3A_274] {strides = array<i32>} : memref<8x1024xf32, #tpu.memory_space<vmem>>, vector<1x16xf32>,
      %get3A_276 = vector.shape_cast %get3A_275 : vector<1x16xf32> to vector<16xf32>
      %get3A_277 = arith.constant 7 : i32
      %get3A_278 = arith.index_cast %get3A_277 : i32 to index
      %get3A_279 = arith.index_cast %add3A_49 : i32 to index
      %get3A_280 = tpu.vector_load %arg8[%get3A_278, %get3A_279] {strides = array<i32>} : memref<8x1024xf32, #tpu.memory_space<vmem>>, vector<1x16xf32>,
      %get3A_281 = vector.shape_cast %get3A_280 : vector<1x16xf32> to vector<16xf32>
      %broadcast_in_dim3A_282 = arith.constant 0 : i32
      %broadcast_in_dim3A_283 = vector.broadcast %broadcast_in_dim3A_282 : i32 to vector<16xi32>
      %gt3A_284 = arith.cmpf ogt, %get3A_251, %get3A_246 : vector<16xf32>
      %select_n3A_285 = arith.select %gt3A_284, %get3A_251, %get3A_246 : vector<16xi1>, vector<16xf32>
      %jit3A_286 = arith.constant 1 : i32
      %broadcast_in_dim3A_287 = vector.broadcast %jit3A_286 : i32 to vector<16xi32>
      %select_n3A_288 = arith.select %gt3A_284, %broadcast_in_dim3A_287, %broadcast_in_dim3A_283 : vector<16xi1>, vector<16xi32>
      %gt3A_289 = arith.cmpf ogt, %get3A_256, %select_n3A_285 : vector<16xf32>
      %select_n3A_290 = arith.select %gt3A_289, %get3A_256, %select_n3A_285 : vector<16xi1>, vector<16xf32>
      %jit3A_291 = arith.constant 2 : i32
      %broadcast_in_dim3A_292 = vector.broadcast %jit3A_291 : i32 to vector<16xi32>
      %select_n3A_293 = arith.select %gt3A_289, %broadcast_in_dim3A_292, %select_n3A_288 : vector<16xi1>, vector<16xi32>
      %gt3A_294 = arith.cmpf ogt, %get3A_261, %select_n3A_290 : vector<16xf32>
      %select_n3A_295 = arith.select %gt3A_294, %get3A_261, %select_n3A_290 : vector<16xi1>, vector<16xf32>
      %jit3A_296 = arith.constant 3 : i32
      %broadcast_in_dim3A_297 = vector.broadcast %jit3A_296 : i32 to vector<16xi32>
      %select_n3A_298 = arith.select %gt3A_294, %broadcast_in_dim3A_297, %select_n3A_293 : vector<16xi1>, vector<16xi32>
      %gt3A_299 = arith.cmpf ogt, %get3A_266, %select_n3A_295 : vector<16xf32>
      %select_n3A_300 = arith.select %gt3A_299, %get3A_266, %select_n3A_295 : vector<16xi1>, vector<16xf32>
      %jit3A_301 = arith.constant 4 : i32
      %broadcast_in_dim3A_302 = vector.broadcast %jit3A_301 : i32 to vector<16xi32>
      %select_n3A_303 = arith.select %gt3A_299, %broadcast_in_dim3A_302, %select_n3A_298 : vector<16xi1>, vector<16xi32>
      %gt3A_304 = arith.cmpf ogt, %get3A_271, %select_n3A_300 : vector<16xf32>
      %select_n3A_305 = arith.select %gt3A_304, %get3A_271, %select_n3A_300 : vector<16xi1>, vector<16xf32>
      %jit3A_306 = arith.constant 5 : i32
      %broadcast_in_dim3A_307 = vector.broadcast %jit3A_306 : i32 to vector<16xi32>
      %select_n3A_308 = arith.select %gt3A_304, %broadcast_in_dim3A_307, %select_n3A_303 : vector<16xi1>, vector<16xi32>
      %gt3A_309 = arith.cmpf ogt, %get3A_276, %select_n3A_305 : vector<16xf32>
      %select_n3A_310 = arith.select %gt3A_309, %get3A_276, %select_n3A_305 : vector<16xi1>, vector<16xf32>
      %jit3A_311 = arith.constant 6 : i32
      %broadcast_in_dim3A_312 = vector.broadcast %jit3A_311 : i32 to vector<16xi32>
      %select_n3A_313 = arith.select %gt3A_309, %broadcast_in_dim3A_312, %select_n3A_308 : vector<16xi1>, vector<16xi32>
      %gt3A_314 = arith.cmpf ogt, %get3A_281, %select_n3A_310 : vector<16xf32>
      %select_n3A_315 = arith.select %gt3A_314, %get3A_281, %select_n3A_310 : vector<16xi1>, vector<16xf32>
      %jit3A_316 = arith.constant 7 : i32
      %broadcast_in_dim3A_317 = vector.broadcast %jit3A_316 : i32 to vector<16xi32>
      %select_n3A_318 = arith.select %gt3A_314, %broadcast_in_dim3A_317, %select_n3A_313 : vector<16xi1>, vector<16xi32>
      %broadcast_in_dim3A_319 = arith.constant 0xFF800000 : f32
      %broadcast_in_dim3A_320 = vector.broadcast %broadcast_in_dim3A_319 : f32 to vector<16xf32>
      %broadcast_in_dim3A_321 = arith.constant 127 : i32
      %broadcast_in_dim3A_322 = vector.broadcast %broadcast_in_dim3A_321 : i32 to vector<16xi32>
      %broadcast_in_dim3A_323 = arith.constant 0.000000e+00 : f32
      %broadcast_in_dim3A_324 = vector.broadcast %broadcast_in_dim3A_323 : f32 to vector<16xf32>
      %sub3A_325 = arith.subf %get3A_246, %select_n3A_315 : vector<16xf32>
      %exp3A_326 = math.exp %sub3A_325 : vector<16xf32>
      %add3A_327 = arith.addf %broadcast_in_dim3A_324, %exp3A_326 : vector<16xf32>
      %eq3A_328 = arith.constant 0 : i32
      %eq3A_329 = vector.broadcast %eq3A_328 : i32 to vector<16xi32>
      %eq3A_330 = arith.cmpi eq, %select_n3A_318, %eq3A_329 : vector<16xi32>
      %jit3A_331 = arith.constant 0xFF800000 : f32
      %broadcast_in_dim3A_332 = vector.broadcast %jit3A_331 : f32 to vector<16xf32>
      %select_n3A_333 = arith.select %eq3A_330, %broadcast_in_dim3A_332, %get3A_246 : vector<16xi1>, vector<16xf32>
      %gt3A_334 = arith.cmpf ogt, %select_n3A_333, %broadcast_in_dim3A_320 : vector<16xf32>
      %select_n3A_335 = arith.select %gt3A_334, %select_n3A_333, %broadcast_in_dim3A_320 : vector<16xi1>, vector<16xf32>
      %jit3A_336 = arith.constant 0 : i32
      %broadcast_in_dim3A_337 = vector.broadcast %jit3A_336 : i32 to vector<16xi32>
      %select_n3A_338 = arith.select %gt3A_334, %broadcast_in_dim3A_337, %broadcast_in_dim3A_322 : vector<16xi1>, vector<16xi32>
      %sub3A_339 = arith.subf %get3A_251, %select_n3A_315 : vector<16xf32>
      %exp3A_340 = math.exp %sub3A_339 : vector<16xf32>
      %add3A_341 = arith.addf %add3A_327, %exp3A_340 : vector<16xf32>
      %eq3A_342 = arith.constant 1 : i32
      %eq3A_343 = vector.broadcast %eq3A_342 : i32 to vector<16xi32>
      %eq3A_344 = arith.cmpi eq, %select_n3A_318, %eq3A_343 : vector<16xi32>
      %jit3A_345 = arith.constant 0xFF800000 : f32
      %broadcast_in_dim3A_346 = vector.broadcast %jit3A_345 : f32 to vector<16xf32>
      %select_n3A_347 = arith.select %eq3A_344, %broadcast_in_dim3A_346, %get3A_251 : vector<16xi1>, vector<16xf32>
      %gt3A_348 = arith.cmpf ogt, %select_n3A_347, %select_n3A_335 : vector<16xf32>
      %select_n3A_349 = arith.select %gt3A_348, %select_n3A_347, %select_n3A_335 : vector<16xi1>, vector<16xf32>
      %jit3A_350 = arith.constant 1 : i32
      %broadcast_in_dim3A_351 = vector.broadcast %jit3A_350 : i32 to vector<16xi32>
      %select_n3A_352 = arith.select %gt3A_348, %broadcast_in_dim3A_351, %select_n3A_338 : vector<16xi1>, vector<16xi32>
      %sub3A_353 = arith.subf %get3A_256, %select_n3A_315 : vector<16xf32>
      %exp3A_354 = math.exp %sub3A_353 : vector<16xf32>
      %add3A_355 = arith.addf %add3A_341, %exp3A_354 : vector<16xf32>
      %eq3A_356 = arith.constant 2 : i32
      %eq3A_357 = vector.broadcast %eq3A_356 : i32 to vector<16xi32>
      %eq3A_358 = arith.cmpi eq, %select_n3A_318, %eq3A_357 : vector<16xi32>
      %jit3A_359 = arith.constant 0xFF800000 : f32
      %broadcast_in_dim3A_360 = vector.broadcast %jit3A_359 : f32 to vector<16xf32>
      %select_n3A_361 = arith.select %eq3A_358, %broadcast_in_dim3A_360, %get3A_256 : vector<16xi1>, vector<16xf32>
      %gt3A_362 = arith.cmpf ogt, %select_n3A_361, %select_n3A_349 : vector<16xf32>
      %select_n3A_363 = arith.select %gt3A_362, %select_n3A_361, %select_n3A_349 : vector<16xi1>, vector<16xf32>
      %jit3A_364 = arith.constant 2 : i32
      %broadcast_in_dim3A_365 = vector.broadcast %jit3A_364 : i32 to vector<16xi32>
      %select_n3A_366 = arith.select %gt3A_362, %broadcast_in_dim3A_365, %select_n3A_352 : vector<16xi1>, vector<16xi32>
      %sub3A_367 = arith.subf %get3A_261, %select_n3A_315 : vector<16xf32>
      %exp3A_368 = math.exp %sub3A_367 : vector<16xf32>
      %add3A_369 = arith.addf %add3A_355, %exp3A_368 : vector<16xf32>
      %eq3A_370 = arith.constant 3 : i32
      %eq3A_371 = vector.broadcast %eq3A_370 : i32 to vector<16xi32>
      %eq3A_372 = arith.cmpi eq, %select_n3A_318, %eq3A_371 : vector<16xi32>
      %jit3A_373 = arith.constant 0xFF800000 : f32
      %broadcast_in_dim3A_374 = vector.broadcast %jit3A_373 : f32 to vector<16xf32>
      %select_n3A_375 = arith.select %eq3A_372, %broadcast_in_dim3A_374, %get3A_261 : vector<16xi1>, vector<16xf32>
      %gt3A_376 = arith.cmpf ogt, %select_n3A_375, %select_n3A_363 : vector<16xf32>
      %select_n3A_377 = arith.select %gt3A_376, %select_n3A_375, %select_n3A_363 : vector<16xi1>, vector<16xf32>
      %jit3A_378 = arith.constant 3 : i32
      %broadcast_in_dim3A_379 = vector.broadcast %jit3A_378 : i32 to vector<16xi32>
      %select_n3A_380 = arith.select %gt3A_376, %broadcast_in_dim3A_379, %select_n3A_366 : vector<16xi1>, vector<16xi32>
      %sub3A_381 = arith.subf %get3A_266, %select_n3A_315 : vector<16xf32>
      %exp3A_382 = math.exp %sub3A_381 : vector<16xf32>
      %add3A_383 = arith.addf %add3A_369, %exp3A_382 : vector<16xf32>
      %eq3A_384 = arith.constant 4 : i32
      %eq3A_385 = vector.broadcast %eq3A_384 : i32 to vector<16xi32>
      %eq3A_386 = arith.cmpi eq, %select_n3A_318, %eq3A_385 : vector<16xi32>
      %jit3A_387 = arith.constant 0xFF800000 : f32
      %broadcast_in_dim3A_388 = vector.broadcast %jit3A_387 : f32 to vector<16xf32>
      %select_n3A_389 = arith.select %eq3A_386, %broadcast_in_dim3A_388, %get3A_266 : vector<16xi1>, vector<16xf32>
      %gt3A_390 = arith.cmpf ogt, %select_n3A_389, %select_n3A_377 : vector<16xf32>
      %select_n3A_391 = arith.select %gt3A_390, %select_n3A_389, %select_n3A_377 : vector<16xi1>, vector<16xf32>
      %jit3A_392 = arith.constant 4 : i32
      %broadcast_in_dim3A_393 = vector.broadcast %jit3A_392 : i32 to vector<16xi32>
      %select_n3A_394 = arith.select %gt3A_390, %broadcast_in_dim3A_393, %select_n3A_380 : vector<16xi1>, vector<16xi32>
      %sub3A_395 = arith.subf %get3A_271, %select_n3A_315 : vector<16xf32>
      %exp3A_396 = math.exp %sub3A_395 : vector<16xf32>
      %add3A_397 = arith.addf %add3A_383, %exp3A_396 : vector<16xf32>
      %eq3A_398 = arith.constant 5 : i32
      %eq3A_399 = vector.broadcast %eq3A_398 : i32 to vector<16xi32>
      %eq3A_400 = arith.cmpi eq, %select_n3A_318, %eq3A_399 : vector<16xi32>
      %jit3A_401 = arith.constant 0xFF800000 : f32
      %broadcast_in_dim3A_402 = vector.broadcast %jit3A_401 : f32 to vector<16xf32>
      %select_n3A_403 = arith.select %eq3A_400, %broadcast_in_dim3A_402, %get3A_271 : vector<16xi1>, vector<16xf32>
      %gt3A_404 = arith.cmpf ogt, %select_n3A_403, %select_n3A_391 : vector<16xf32>
      %select_n3A_405 = arith.select %gt3A_404, %select_n3A_403, %select_n3A_391 : vector<16xi1>, vector<16xf32>
      %jit3A_406 = arith.constant 5 : i32
      %broadcast_in_dim3A_407 = vector.broadcast %jit3A_406 : i32 to vector<16xi32>
      %select_n3A_408 = arith.select %gt3A_404, %broadcast_in_dim3A_407, %select_n3A_394 : vector<16xi1>, vector<16xi32>
      %sub3A_409 = arith.subf %get3A_276, %select_n3A_315 : vector<16xf32>
      %exp3A_410 = math.exp %sub3A_409 : vector<16xf32>
      %add3A_411 = arith.addf %add3A_397, %exp3A_410 : vector<16xf32>
      %eq3A_412 = arith.constant 6 : i32
      %eq3A_413 = vector.broadcast %eq3A_412 : i32 to vector<16xi32>
      %eq3A_414 = arith.cmpi eq, %select_n3A_318, %eq3A_413 : vector<16xi32>
      %jit3A_415 = arith.constant 0xFF800000 : f32
      %broadcast_in_dim3A_416 = vector.broadcast %jit3A_415 : f32 to vector<16xf32>
      %select_n3A_417 = arith.select %eq3A_414, %broadcast_in_dim3A_416, %get3A_276 : vector<16xi1>, vector<16xf32>
      %gt3A_418 = arith.cmpf ogt, %select_n3A_417, %select_n3A_405 : vector<16xf32>
      %select_n3A_419 = arith.select %gt3A_418, %select_n3A_417, %select_n3A_405 : vector<16xi1>, vector<16xf32>
      %jit3A_420 = arith.constant 6 : i32
      %broadcast_in_dim3A_421 = vector.broadcast %jit3A_420 : i32 to vector<16xi32>
      %select_n3A_422 = arith.select %gt3A_418, %broadcast_in_dim3A_421, %select_n3A_408 : vector<16xi1>, vector<16xi32>
      %sub3A_423 = arith.subf %get3A_281, %select_n3A_315 : vector<16xf32>
      %exp3A_424 = math.exp %sub3A_423 : vector<16xf32>
      %add3A_425 = arith.addf %add3A_411, %exp3A_424 : vector<16xf32>
      %eq3A_426 = arith.constant 7 : i32
      %eq3A_427 = vector.broadcast %eq3A_426 : i32 to vector<16xi32>
      %eq3A_428 = arith.cmpi eq, %select_n3A_318, %eq3A_427 : vector<16xi32>
      %jit3A_429 = arith.constant 0xFF800000 : f32
      %broadcast_in_dim3A_430 = vector.broadcast %jit3A_429 : f32 to vector<16xf32>
      %select_n3A_431 = arith.select %eq3A_428, %broadcast_in_dim3A_430, %get3A_281 : vector<16xi1>, vector<16xf32>
      %gt3A_432 = arith.cmpf ogt, %select_n3A_431, %select_n3A_419 : vector<16xf32>
      %select_n3A_433 = arith.select %gt3A_432, %select_n3A_431, %select_n3A_419 : vector<16xi1>, vector<16xf32>
      %jit3A_434 = arith.constant 7 : i32
      %broadcast_in_dim3A_435 = vector.broadcast %jit3A_434 : i32 to vector<16xi32>
      %select_n3A_436 = arith.select %gt3A_432, %broadcast_in_dim3A_435, %select_n3A_422 : vector<16xi1>, vector<16xi32>
      %div3A_437 = arith.constant 1.000000e+00 : f32
      %div3A_438 = vector.broadcast %div3A_437 : f32 to vector<16xf32>
      %div3A_439 = arith.divf %div3A_438, %add3A_425 : vector<16xf32>
      %sub3A_440 = arith.subf %select_n3A_433, %select_n3A_315 : vector<16xf32>
      %exp3A_441 = math.exp %sub3A_440 : vector<16xf32>
      %mul3A_442 = arith.mulf %exp3A_441, %div3A_439 : vector<16xf32>
      %exp3A_443 = math.exp %div3A_238 : vector<16xf32>
      %exp3A_444 = math.exp %mul3A_241 : vector<16xf32>
      %exp3A_445 = math.exp %div3A_439 : vector<16xf32>
      %exp3A_446 = math.exp %mul3A_442 : vector<16xf32>
      %add3A_447 = arith.addf %exp3A_443, %exp3A_444 : vector<16xf32>
      %add3A_448 = arith.addf %add3A_447, %exp3A_445 : vector<16xf32>
      %add3A_449 = arith.addf %add3A_448, %exp3A_446 : vector<16xf32>
      %div3A_450 = arith.constant 1.000000e+00 : f32
      %div3A_451 = vector.broadcast %div3A_450 : f32 to vector<16xf32>
      %div3A_452 = arith.divf %div3A_451, %add3A_449 : vector<16xf32>
      %mul3A_453 = arith.mulf %exp3A_443, %div3A_452 : vector<16xf32>
      %swap3A = arith.constant 0 : i32
      %swap3A_454 = arith.index_cast %swap3A : i32 to index
      %swap3A_455 = arith.index_cast %add3A_49 : i32 to index
      %swap3A_456 = tpu.vector_load %arg9[%swap3A_454, %swap3A_455] {strides = array<i32>} : memref<4x1024xf32, #tpu.memory_space<vmem>>, vector<1x16xf32>,
      %swap3A_457 = vector.shape_cast %swap3A_456 : vector<1x16xf32> to vector<16xf32>
      %swap3A_458 = vector.shape_cast %mul3A_453 : vector<16xf32> to vector<1x16xf32>
      tpu.vector_store %arg9[%swap3A_454, %swap3A_455], %swap3A_458 {strides = array<i32>} : memref<4x1024xf32, #tpu.memory_space<vmem>>, vector<1x16xf32>,
      %mul3A_459 = arith.mulf %exp3A_444, %div3A_452 : vector<16xf32>
      %swap3A_460 = arith.constant 1 : i32
      %swap3A_461 = arith.index_cast %swap3A_460 : i32 to index
      %swap3A_462 = arith.index_cast %add3A_49 : i32 to index
      %swap3A_463 = tpu.vector_load %arg9[%swap3A_461, %swap3A_462] {strides = array<i32>} : memref<4x1024xf32, #tpu.memory_space<vmem>>, vector<1x16xf32>,
      %swap3A_464 = vector.shape_cast %swap3A_463 : vector<1x16xf32> to vector<16xf32>
      %swap3A_465 = vector.shape_cast %mul3A_459 : vector<16xf32> to vector<1x16xf32>
      tpu.vector_store %arg9[%swap3A_461, %swap3A_462], %swap3A_465 {strides = array<i32>} : memref<4x1024xf32, #tpu.memory_space<vmem>>, vector<1x16xf32>,
      %mul3A_466 = arith.mulf %exp3A_445, %div3A_452 : vector<16xf32>
      %swap3A_467 = arith.constant 2 : i32
      %swap3A_468 = arith.index_cast %swap3A_467 : i32 to index
      %swap3A_469 = arith.index_cast %add3A_49 : i32 to index
      %swap3A_470 = tpu.vector_load %arg9[%swap3A_468, %swap3A_469] {strides = array<i32>} : memref<4x1024xf32, #tpu.memory_space<vmem>>, vector<1x16xf32>,
      %swap3A_471 = vector.shape_cast %swap3A_470 : vector<1x16xf32> to vector<16xf32>
      %swap3A_472 = vector.shape_cast %mul3A_466 : vector<16xf32> to vector<1x16xf32>
      tpu.vector_store %arg9[%swap3A_468, %swap3A_469], %swap3A_472 {strides = array<i32>} : memref<4x1024xf32, #tpu.memory_space<vmem>>, vector<1x16xf32>,
      %mul3A_473 = arith.mulf %exp3A_446, %div3A_452 : vector<16xf32>
      %swap3A_474 = arith.constant 3 : i32
      %swap3A_475 = arith.index_cast %swap3A_474 : i32 to index
      %swap3A_476 = arith.index_cast %add3A_49 : i32 to index
      %swap3A_477 = tpu.vector_load %arg9[%swap3A_475, %swap3A_476] {strides = array<i32>} : memref<4x1024xf32, #tpu.memory_space<vmem>>, vector<1x16xf32>,
      %swap3A_478 = vector.shape_cast %swap3A_477 : vector<1x16xf32> to vector<16xf32>
      %swap3A_479 = vector.shape_cast %mul3A_473 : vector<16xf32> to vector<1x16xf32>
      tpu.vector_store %arg9[%swap3A_475, %swap3A_476], %swap3A_479 {strides = array<i32>} : memref<4x1024xf32, #tpu.memory_space<vmem>>, vector<1x16xf32>,
      %swap3A_480 = arith.constant 0 : i32
      %swap3A_481 = arith.index_cast %swap3A_480 : i32 to index
      %swap3A_482 = arith.index_cast %add3A_49 : i32 to index
      %swap3A_483 = tpu.vector_load %arg10[%swap3A_481, %swap3A_482] {strides = array<i32>} : memref<2x1024xi32, #tpu.memory_space<vmem>>, vector<1x16xi32>,
      %swap3A_484 = vector.shape_cast %swap3A_483 : vector<1x16xi32> to vector<16xi32>
      %swap3A_485 = vector.shape_cast %select_n3A_121 : vector<16xi32> to vector<1x16xi32>
      tpu.vector_store %arg10[%swap3A_481, %swap3A_482], %swap3A_485 {strides = array<i32>} : memref<2x1024xi32, #tpu.memory_space<vmem>>, vector<1x16xi32>,
      %swap3A_486 = arith.constant 1 : i32
      %swap3A_487 = arith.index_cast %swap3A_486 : i32 to index
      %swap3A_488 = arith.index_cast %add3A_49 : i32 to index
      %swap3A_489 = tpu.vector_load %arg10[%swap3A_487, %swap3A_488] {strides = array<i32>} : memref<2x1024xi32, #tpu.memory_space<vmem>>, vector<1x16xi32>,
      %swap3A_490 = vector.shape_cast %swap3A_489 : vector<1x16xi32> to vector<16xi32>
      %swap3A_491 = vector.shape_cast %select_n3A_236 : vector<16xi32> to vector<1x16xi32>
      tpu.vector_store %arg10[%swap3A_487, %swap3A_488], %swap3A_491 {strides = array<i32>} : memref<2x1024xi32, #tpu.memory_space<vmem>>, vector<1x16xi32>,
      %swap3A_492 = arith.constant 0 : i32
      %swap3A_493 = arith.index_cast %swap3A_492 : i32 to index
      %swap3A_494 = arith.index_cast %add3A_49 : i32 to index
      %swap3A_495 = tpu.vector_load %arg11[%swap3A_493, %swap3A_494] {strides = array<i32>} : memref<2x1024xi32, #tpu.memory_space<vmem>>, vector<1x16xi32>,
      %swap3A_496 = vector.shape_cast %swap3A_495 : vector<1x16xi32> to vector<16xi32>
      %swap3A_497 = vector.shape_cast %select_n3A_318 : vector<16xi32> to vector<1x16xi32>
      tpu.vector_store %arg11[%swap3A_493, %swap3A_494], %swap3A_497 {strides = array<i32>} : memref<2x1024xi32, #tpu.memory_space<vmem>>, vector<1x16xi32>,
      %swap3A_498 = arith.constant 1 : i32
      %swap3A_499 = arith.index_cast %swap3A_498 : i32 to index
      %swap3A_500 = arith.index_cast %add3A_49 : i32 to index
      %swap3A_501 = tpu.vector_load %arg11[%swap3A_499, %swap3A_500] {strides = array<i32>} : memref<2x1024xi32, #tpu.memory_space<vmem>>, vector<1x16xi32>,
      %swap3A_502 = vector.shape_cast %swap3A_501 : vector<1x16xi32> to vector<16xi32>
      %swap3A_503 = vector.shape_cast %select_n3A_436 : vector<16xi32> to vector<1x16xi32>
      tpu.vector_store %arg11[%swap3A_499, %swap3A_500], %swap3A_503 {strides = array<i32>} : memref<2x1024xi32, #tpu.memory_space<vmem>>, vector<1x16xi32>,
    }
    %scan3A_20 = arith.constant 64 : i32
    %dma_start3A_21 = arith.constant 0 : i32
    %dma_start3A_22 = tpu.memref_slice %arg4[%dma_start3A_21, %mul3A_2] : memref<4x32768xf32, #tpu.memory_space<hbm>> -> memref<4x1024xf32, #tpu.memory_space<hbm>>
    %dma_start3A_23 = arith.constant 0 : i32
    %dma_start3A_24 = tpu.memref_slice %arg4[%dma_start3A_23, %mul3A_2] : memref<4x32768xf32, #tpu.memory_space<hbm>> -> memref<4x1024xf32, #tpu.memory_space<hbm>>
    tpu.enqueue_dma source(%arg9 : memref<4x1024xf32, #tpu.memory_space<vmem>>) target(%dma_start3A_24 : memref<4x1024xf32, #tpu.memory_space<hbm>>) target_semaphore(%arg12 : memref<!tpu.dma_semaphore, #tpu.memory_space<semaphore_mem>>)
    %dma_wait3A_25 = arith.constant 0 : i32
    %dma_wait3A_26 = tpu.memref_slice %arg4[%dma_wait3A_25, %mul3A_2] : memref<4x32768xf32, #tpu.memory_space<hbm>> -> memref<4x1024xf32, #tpu.memory_space<hbm>>
    %dma_wait3A_27 = arith.constant 0 : i32
    %dma_wait3A_28 = tpu.memref_slice %arg4[%dma_wait3A_27, %mul3A_2] : memref<4x32768xf32, #tpu.memory_space<hbm>> -> memref<4x1024xf32, #tpu.memory_space<hbm>>
    tpu.wait_dma2 semaphore(%arg12 : memref<!tpu.dma_semaphore, #tpu.memory_space<semaphore_mem>>) src(%arg9 : memref<4x1024xf32, #tpu.memory_space<vmem>>) dst(%dma_wait3A_28 : memref<4x1024xf32, #tpu.memory_space<hbm>>)
    %dma_start3A_29 = arith.constant 0 : i32
    %dma_start3A_30 = tpu.memref_slice %arg5[%dma_start3A_29, %mul3A_2] : memref<2x32768xi32, #tpu.memory_space<hbm>> -> memref<2x1024xi32, #tpu.memory_space<hbm>>
    %dma_start3A_31 = arith.constant 0 : i32
    %dma_start3A_32 = tpu.memref_slice %arg5[%dma_start3A_31, %mul3A_2] : memref<2x32768xi32, #tpu.memory_space<hbm>> -> memref<2x1024xi32, #tpu.memory_space<hbm>>
    tpu.enqueue_dma source(%arg10 : memref<2x1024xi32, #tpu.memory_space<vmem>>) target(%dma_start3A_32 : memref<2x1024xi32, #tpu.memory_space<hbm>>) target_semaphore(%arg12 : memref<!tpu.dma_semaphore, #tpu.memory_space<semaphore_mem>>)
    %dma_wait3A_33 = arith.constant 0 : i32
    %dma_wait3A_34 = tpu.memref_slice %arg5[%dma_wait3A_33, %mul3A_2] : memref<2x32768xi32, #tpu.memory_space<hbm>> -> memref<2x1024xi32, #tpu.memory_space<hbm>>
    %dma_wait3A_35 = arith.constant 0 : i32
    %dma_wait3A_36 = tpu.memref_slice %arg5[%dma_wait3A_35, %mul3A_2] : memref<2x32768xi32, #tpu.memory_space<hbm>> -> memref<2x1024xi32, #tpu.memory_space<hbm>>
    tpu.wait_dma2 semaphore(%arg12 : memref<!tpu.dma_semaphore, #tpu.memory_space<semaphore_mem>>) src(%arg10 : memref<2x1024xi32, #tpu.memory_space<vmem>>) dst(%dma_wait3A_36 : memref<2x1024xi32, #tpu.memory_space<hbm>>)
    %dma_start3A_37 = arith.constant 0 : i32
    %dma_start3A_38 = tpu.memref_slice %arg6[%dma_start3A_37, %mul3A_2] : memref<2x32768xi32, #tpu.memory_space<hbm>> -> memref<2x1024xi32, #tpu.memory_space<hbm>>
    %dma_start3A_39 = arith.constant 0 : i32
    %dma_start3A_40 = tpu.memref_slice %arg6[%dma_start3A_39, %mul3A_2] : memref<2x32768xi32, #tpu.memory_space<hbm>> -> memref<2x1024xi32, #tpu.memory_space<hbm>>
    tpu.enqueue_dma source(%arg11 : memref<2x1024xi32, #tpu.memory_space<vmem>>) target(%dma_start3A_40 : memref<2x1024xi32, #tpu.memory_space<hbm>>) target_semaphore(%arg12 : memref<!tpu.dma_semaphore, #tpu.memory_space<semaphore_mem>>)
    %dma_wait3A_41 = arith.constant 0 : i32
    %dma_wait3A_42 = tpu.memref_slice %arg6[%dma_wait3A_41, %mul3A_2] : memref<2x32768xi32, #tpu.memory_space<hbm>> -> memref<2x1024xi32, #tpu.memory_space<hbm>>
    %dma_wait3A_43 = arith.constant 0 : i32
    %dma_wait3A_44 = tpu.memref_slice %arg6[%dma_wait3A_43, %mul3A_2] : memref<2x32768xi32, #tpu.memory_space<hbm>> -> memref<2x1024xi32, #tpu.memory_space<hbm>>
    tpu.wait_dma2 semaphore(%arg12 : memref<!tpu.dma_semaphore, #tpu.memory_space<semaphore_mem>>) src(%arg11 : memref<2x1024xi32, #tpu.memory_space<vmem>>) dst(%dma_wait3A_44 : memref<2x1024xi32, #tpu.memory_space<hbm>>)
    return
  }
}

module attributes {stable_mosaic.version = 14 : i64} {
  func.func @_score_kernel(%arg0: i32, %arg1: memref<2048x768xf32, #tpu.memory_space<vmem>>, %arg2: memref<2048x768xf32, #tpu.memory_space<vmem>>, %arg3: memref<8x768xf32, #tpu.memory_space<vmem>>, %arg4: memref<1x8xf32, #tpu.memory_space<vmem>>, %arg5: memref<8x768xf32, #tpu.memory_space<vmem>>, %arg6: memref<1x8xf32, #tpu.memory_space<vmem>>, %arg7: memref<8x2048xf32, #tpu.memory_space<vmem>>, %arg8: memref<8x2048xf32, #tpu.memory_space<vmem>>) attributes {dimension_semantics = [#tpu.dimension_semantics<arbitrary>], iteration_bounds = array<i64: 16>, scalar_prefetch = 0 : i64, scratch_operands = 0 : i64, tpu.core_type = #tpu.core_type<tc>, window_params = [{transform_indices = @transform_0, window_bounds = array<i64: 2048, 768>}, {transform_indices = @transform_1, window_bounds = array<i64: 2048, 768>}, {pipeline_mode = #tpu.pipeline_mode<synchronous>, transform_indices = @transform_2, window_bounds = array<i64: 8, 768>}, {pipeline_mode = #tpu.pipeline_mode<synchronous>, transform_indices = @transform_3, window_bounds = array<i64: 1, 8>}, {pipeline_mode = #tpu.pipeline_mode<synchronous>, transform_indices = @transform_4, window_bounds = array<i64: 8, 768>}, {pipeline_mode = #tpu.pipeline_mode<synchronous>, transform_indices = @transform_5, window_bounds = array<i64: 1, 8>}, {transform_indices = @transform_6, window_bounds = array<i64: 8, 2048>}, {transform_indices = @transform_7, window_bounds = array<i64: 8, 2048>}]} {
    %get3A = arith.constant 0 : index
    %get3A_0 = arith.constant 0 : index
    %get3A_1 = vector.load %arg1[%get3A, %get3A_0] : memref<2048x768xf32, #tpu.memory_space<vmem>>, vector<2048x768xf32>
    %get3A_2 = arith.constant 0 : index
    %get3A_3 = arith.constant 0 : index
    %get3A_4 = vector.load %arg3[%get3A_2, %get3A_3] : memref<8x768xf32, #tpu.memory_space<vmem>>, vector<8x768xf32>
    %dot_general3A = arith.constant dense<0.000000e+00> : vector<2048x8xf32>
    %dot_general3A_5 = tpu.matmul %get3A_1, %get3A_4, %dot_general3A {dimension_numbers = #tpu.dot_dimension_numbers<[1], [1], [0], [0], [0, 0, 1, 0], [], []>, transpose_lhs_hint = false} : vector<2048x768xf32>, vector<8x768xf32>, vector<2048x8xf32> -> vector<2048x8xf32>
    %get3A_6 = arith.constant 0 : index
    %get3A_7 = arith.constant 0 : index
    %get3A_8 = vector.load %arg2[%get3A_6, %get3A_7] : memref<2048x768xf32, #tpu.memory_space<vmem>>, vector<2048x768xf32>
    %get3A_9 = arith.constant 0 : index
    %get3A_10 = arith.constant 0 : index
    %get3A_11 = vector.load %arg5[%get3A_9, %get3A_10] : memref<8x768xf32, #tpu.memory_space<vmem>>, vector<8x768xf32>
    %dot_general3A_12 = arith.constant dense<0.000000e+00> : vector<2048x8xf32>
    %dot_general3A_13 = tpu.matmul %get3A_8, %get3A_11, %dot_general3A_12 {dimension_numbers = #tpu.dot_dimension_numbers<[1], [1], [0], [0], [0, 0, 1, 0], [], []>, transpose_lhs_hint = false} : vector<2048x768xf32>, vector<8x768xf32>, vector<2048x8xf32> -> vector<2048x8xf32>
    %transpose3A = tpu.transpose %dot_general3A_5, [1, 0] : vector<2048x8xf32> -> vector<8x2048xf32>
    %get3A_14 = arith.constant 0 : index
    %get3A_15 = arith.constant 0 : index
    %get3A_16 = vector.load %arg4[%get3A_14, %get3A_15] : memref<1x8xf32, #tpu.memory_space<vmem>>, vector<1x8xf32>
    %transpose3A_17 = tpu.transpose %get3A_16, [1, 0] : vector<1x8xf32> -> vector<8x1xf32>
    %add3A = vector.broadcast %transpose3A_17 : vector<8x1xf32> to vector<8x2048xf32>
    %add3A_18 = arith.addf %transpose3A, %add3A : vector<8x2048xf32>
    %swap3A = arith.constant 0 : index
    %swap3A_19 = arith.constant 0 : index
    %swap3A_20 = vector.load %arg7[%swap3A, %swap3A_19] : memref<8x2048xf32, #tpu.memory_space<vmem>>, vector<8x2048xf32>
    tpu.vector_store %arg7[%swap3A, %swap3A_19], %add3A_18 {strides = array<i32>} : memref<8x2048xf32, #tpu.memory_space<vmem>>, vector<8x2048xf32>,
    %transpose3A_21 = tpu.transpose %dot_general3A_13, [1, 0] : vector<2048x8xf32> -> vector<8x2048xf32>
    %get3A_22 = arith.constant 0 : index
    %get3A_23 = arith.constant 0 : index
    %get3A_24 = vector.load %arg6[%get3A_22, %get3A_23] : memref<1x8xf32, #tpu.memory_space<vmem>>, vector<1x8xf32>
    %transpose3A_25 = tpu.transpose %get3A_24, [1, 0] : vector<1x8xf32> -> vector<8x1xf32>
    %add3A_26 = vector.broadcast %transpose3A_25 : vector<8x1xf32> to vector<8x2048xf32>
    %add3A_27 = arith.addf %transpose3A_21, %add3A_26 : vector<8x2048xf32>
    %swap3A_28 = arith.constant 0 : index
    %swap3A_29 = arith.constant 0 : index
    %swap3A_30 = vector.load %arg8[%swap3A_28, %swap3A_29] : memref<8x2048xf32, #tpu.memory_space<vmem>>, vector<8x2048xf32>
    tpu.vector_store %arg8[%swap3A_28, %swap3A_29], %add3A_27 {strides = array<i32>} : memref<8x2048xf32, #tpu.memory_space<vmem>>, vector<8x2048xf32>,
    return
  }
  func.func @transform_0(%arg0: i32) -> (i32, i32) {
    %c0_i32 = arith.constant 0 : i32
    %c0_i32_0 = arith.constant 0 : i32
    return %arg0, %c0_i32 : i32, i32
  }
  func.func @transform_1(%arg0: i32) -> (i32, i32) {
    %c0_i32 = arith.constant 0 : i32
    %c0_i32_0 = arith.constant 0 : i32
    return %arg0, %c0_i32 : i32, i32
  }
  func.func @transform_2(%arg0: i32) -> (i32, i32) {
    %c0_i32 = arith.constant 0 : i32
    %c0_i32_0 = arith.constant 0 : i32
    %c0_i32_1 = arith.constant 0 : i32
    return %c0_i32, %c0_i32_0 : i32, i32
  }
  func.func @transform_3(%arg0: i32) -> (i32, i32) {
    %c0_i32 = arith.constant 0 : i32
    %c0_i32_0 = arith.constant 0 : i32
    %c0_i32_1 = arith.constant 0 : i32
    return %c0_i32, %c0_i32_0 : i32, i32
  }
  func.func @transform_4(%arg0: i32) -> (i32, i32) {
    %c0_i32 = arith.constant 0 : i32
    %c0_i32_0 = arith.constant 0 : i32
    %c0_i32_1 = arith.constant 0 : i32
    return %c0_i32, %c0_i32_0 : i32, i32
  }
  func.func @transform_5(%arg0: i32) -> (i32, i32) {
    %c0_i32 = arith.constant 0 : i32
    %c0_i32_0 = arith.constant 0 : i32
    %c0_i32_1 = arith.constant 0 : i32
    return %c0_i32, %c0_i32_0 : i32, i32
  }
  func.func @transform_6(%arg0: i32) -> (i32, i32) {
    %c0_i32 = arith.constant 0 : i32
    %c0_i32_0 = arith.constant 0 : i32
    return %c0_i32, %arg0 : i32, i32
  }
  func.func @transform_7(%arg0: i32) -> (i32, i32) {
    %c0_i32 = arith.constant 0 : i32
    %c0_i32_0 = arith.constant 0 : i32
    return %c0_i32, %arg0 : i32, i32
  }
}

</mosaic_0001>

<sc_bundles>
// kernel: kernel.4.cloned.1.call-start
scs
__scs_entry_jumppad:
0x0: {  	(pc) =	sbr.rel $0x88, $3  }
0x1: {  	(tag) =	ssettag $0x0;
	lr =	simm.s32 $0x1  }
0x2: {  	[smem:$0x3F9B] =	sst lr;
	_ =	strace $0xD0000000  }
0x3: {  	_ = 	snop  }
0x4: {  	_ = 	snop  }
0x5: {  	_ = 	snop  }
0x6: {  	_ = 	snop  }
0x7: {  	_ = 	snop  }
__scs_overlays_trampoline_lowered:
0x8: {  	[smem:$0x3FAA] =	sst s0  }
0x9: {  	[smem:$0x3FAB] =	sst s1  }
0xa: {  	[smem:$0x3FAC] =	sst s2  }
0xb: {  	[smem:$0x3FAD] =	sst s3  }
0xc: {  	[smem:$0x3FAE] =	sst s4  }
0xd: {  	[smem:$0x3FAF] =	sst s5  }
0xe: {  	[smem:$0x3FB0] =	sst s6  }
0xf: {  	[smem:$0x3FB1] =	sst s7  }
0x10: {  	[smem:$0x3FB2] =	sst s8  }
0x11: {  	[smem:$0x3FB3] =	sst s9;
	s0 =	simm.s32 @!p0 $0x0  }
0x12: {  	s1 =	sld [smem:$0x3F99];
	s0 =	simm.s32 @p0 $0x1  }
0x13: {  	[smem:$0x3FB4] =	sst s0;
	s0 =	simm.s32 @!p1 $0x0  }
0x14: {  	s2 =	sld [smem:$0x3F98];
	s0 =	simm.s32 @p1 $0x1  }
0x15: {  	[smem:$0x3FB5] =	sst s0;
	s0 =	simm.s32 @!p2 $0x0  }
0x16: {  	s3 =	sld [smem:$0x3FDB];
	s0 =	simm.s32 @p2 $0x1  }
0x17: {  	s4 =	simm.s32 $0x1BF5;
	[smem:$0x3FB7] =	sst s0  }
0x18: {  	s0 =	sld [smem:$0x3F9A];
	_ =	swait.ge [sflag:s4], $0x0  }
0x19: {  	s7 =	sld [smem:$0x3F9B]  }
0x1a: {  	s8 =	sadd.s32 $0xFFFFE003, lr  }
0x1b: {  	s9 =	sadd.s32 $0xFFFFFEF7, lr;
	s5 =	simm.s32 $0xFFFFFFFF;
	p2 =	slt.u32 s8, $0xFFFFF086  }
0x1c: {  	p1 =	slt.u32 s9, $0xF7A;
	s5 =	simm.s32 @!p2 $0x0  }
0x1d: {  	s5 =	simm.s32 @p1 $0x1;
	p0 =	seq.s32 s7, s2  }
0x1e: {  	s7 =	smul.u32 @!p0 $0xF7A, s2;
	p2 =	seq.s32 @!p0 s5, $0x0  }
0x1f: {  	s9 =	smul.u32 $0xF7A, s1;
	s8 =	simm.s32 @!p0 $0x1BF5;
	p2 =	por !p2, p0  }
0x20: {  	[sflag:s8] =	ssyncset.s32 @!p0 $0xFFFFF086;
	s6 =	sadd.s32 @!p0 s3, s7;
	s7 =	simm.s32 @!p0 $0x108  }
0x21: {  	s3 =	sadd.s32 s3, s9;
	s6 =	sadd.s32 @!p0 $0x88, s6;
	s7 =	simm.s32 @p2 $0x1082  }
0x22: {  	[simem:s7], [sflag:s8] =	dma.local @!p0 [hbm:s6], $0xF7A  }
0x23: {  	s9 =	sor.u32 $0xD0000000, s2;
	s6 =	simm.s32 $0x108;
	_ =	swait.ge @!p0 [sflag:s8], $0x0  }
0x24: {  	s3 =	sadd.s32 $0x88, s3;
	s6 =	simm.s32 @!p1 $0x1082;
	[sflag:s4] =	ssyncset.s32 $0xFFFFF086  }
0x25: {  	[simem:s6], [sflag:s4] =	dma.local [hbm:s3], $0xF7A  }
0x26: {  	[smem:$0x3F9B] =	sst s1;
	(tag) =	ssettag s2;
	_ =	strace s9  }
0x27: {  	s1 =	sld [smem:$0x3FAB]  }
0x28: {  	s2 =	sld [smem:$0x3FAC]  }
0x29: {  	s4 =	sld [smem:$0x3FAE]  }
0x2a: {  	p0 =	seq.s32 s5, $0x0;
	s5 =	sld [smem:$0x3FAF]  }
0x2b: {  	s6 =	sld [smem:$0x3FB0]  }
0x2c: {  	s7 =	sld [smem:$0x3FB1]  }
0x2d: {  	s3 =	simm.s32 $0x108;
	s8 =	sld [smem:$0x3FB2]  }
0x2e: {  	s3 =	simm.s32 @!p0 $0x1082;
	s9 =	sld [smem:$0x3FB3]  }
0x2f: {  	lr =	sadd.s32 s0, s3;
	s0 =	sld [smem:$0x3FAA]  }
0x30: {  	s3 =	sld [smem:$0x3FAD]  }
0x31: {  	[smem:$0x3FB6] =	sst s10  }
0x32: {  	s10 =	sld [smem:$0x3FB4];
	_ =	sdelay $0x3  }
0x33: {  	p0 =	seq.s32 s10, $0x1;
	s10 =	sld [smem:$0x3FB6];
	_ =	sdelay $0x3  }
0x34: {  	[smem:$0x3FB6] =	sst s10  }
0x35: {  	s10 =	sld [smem:$0x3FB5];
	_ =	sdelay $0x3  }
0x36: {  	p1 =	seq.s32 s10, $0x1;
	s10 =	sld [smem:$0x3FB6];
	_ =	sdelay $0x3  }
0x37: {  	[smem:$0x3FB6] =	sst s10  }
0x38: {  	s10 =	sld [smem:$0x3FB7]  }
0x39: {  	_ = 	snop;
	(pc) =	sbr.ind lr, $3  }
0x3a: {  	_ = 	snop  }
0x3b: {  	_ = 	snop  }
0x3c: {  	p2 =	seq.s32 s10, $0x1;
	s10 =	sld [smem:$0x3FB6]  }
0x3d: {  	_ =	shalt  }
0x3e: {  	_ =	shalt  }
0x3f: {  	_ =	shalt  }
0x40: {  	_ =	shalt  }
0x41: {  	_ =	shalt  }
0x42: {  	_ =	shalt  }
0x43: {  	_ =	shalt  }
0x44: {  	_ =	shalt  }
0x45: {  	_ =	shalt  }
0x46: {  	_ =	shalt  }
0x47: {  	_ =	shalt  }
0x48: {  	_ =	shalt  }
0x49: {  	_ =	shalt  }
0x4a: {  	_ =	shalt  }
0x4b: {  	_ =	shalt  }
0x4c: {  	_ =	shalt  }
0x4d: {  	_ =	shalt  }
0x4e: {  	_ =	shalt  }
0x4f: {  	_ =	shalt  }
0x50: {  	_ =	shalt  }
0x51: {  	_ =	shalt  }
0x52: {  	_ =	shalt  }
0x53: {  	_ =	shalt  }
0x54: {  	_ =	shalt  }
0x55: {  	_ =	shalt  }
0x56: {  	_ =	shalt  }
0x57: {  	_ =	shalt  }
0x58: {  	_ =	shalt  }
0x59: {  	_ =	shalt  }
0x5a: {  	_ =	shalt  }
0x5b: {  	_ =	shalt  }
0x5c: {  	_ =	shalt  }
0x5d: {  	_ =	shalt  }
0x5e: {  	_ =	shalt  }
0x5f: {  	_ =	shalt  }
0x60: {  	_ =	shalt  }
0x61: {  	_ =	shalt  }
0x62: {  	_ =	shalt  }
0x63: {  	_ =	shalt  }
0x64: {  	_ =	shalt  }
0x65: {  	_ =	shalt  }
0x66: {  	_ =	shalt  }
0x67: {  	_ =	shalt  }
0x68: {  	_ =	shalt  }
0x69: {  	_ =	shalt  }
0x6a: {  	_ =	shalt  }
0x6b: {  	_ =	shalt  }
0x6c: {  	_ =	shalt  }
0x6d: {  	_ =	shalt  }
0x6e: {  	_ =	shalt  }
0x6f: {  	_ =	shalt  }
0x70: {  	_ =	shalt  }
0x71: {  	_ =	shalt  }
0x72: {  	_ =	shalt  }
0x73: {  	_ =	shalt  }
0x74: {  	_ =	shalt  }
0x75: {  	_ =	shalt  }
0x76: {  	_ =	shalt  }
0x77: {  	_ =	shalt  }
0x78: {  	_ =	shalt  }
0x79: {  	_ =	shalt  }
0x7a: {  	_ =	shalt  }
0x7b: {  	_ =	shalt  }
0x7c: {  	_ =	shalt  }
0x7d: {  	_ =	shalt  }
0x7e: {  	_ =	shalt  }
0x7f: {  	_ =	shalt  }
0x80: {  	_ =	shalt  }
0x81: {  	_ =	shalt  }
0x82: {  	_ =	shalt  }
0x83: {  	_ =	shalt  }
0x84: {  	_ =	shalt  }
0x85: {  	_ =	shalt  }
0x86: {  	_ =	shalt  }
0x87: {  	_ =	shalt  }
.Lfunc_end0:
.L_simem_size_0:
called_computation_lowered:
.L_overlay_start_0:
0x88: {  	s2 =	sld [smem:$0x3FD9]  }
0x89: {  	s3 =	sld [smem:$0x3FFE];
	_ =	sdelay $0x1  }
0x8a: {  	s1 =	srdreg.scid  }
0x8b: {  	s0 =	sand.u32 $0x1, s1  }
0x8c: {  	s14 =	sshll.u32 s0, $0xA;
	s2 =	sadd.s32 s3, s2  }
0x8d: {  	s2 =	sadd.s32 s2, s14  }
0x8e: {  	[smem:$0x3FC2] =	sst s2  }
0x8f: {  	_ = 	snop  }
0x90: {  	s2 =	sld [smem:$0x3FD0];
	_ =	sdelay $0x2  }
0x91: {  	s15 =	simm.s32 $0xA;
	s4 =	simm.s32 $0x10  }
0x92: {  	[smem:s4], [sflag:s15] =	dma.local [hbm:s2], $0x1  }
0x93: {  	_ =	swait.eq [sflag:s15], $0x1  }
0x94: {  	s16 =	sld [smem:$0x10];
	[sflag:s15] =	ssyncset.done $0x0  }
0x95: {  	s17 =	sld [smem:$0x11];
	[sflag:s15] =	ssyncadd.s32 $0xFFFFFFFF  }
0x96: {  	s18 =	sld [smem:$0x12];
	(tm) =	ssettm $0x1  }
0x97: {  	s5 =	sld [smem:$0x3FFB];
	_ =	sdelay $0x3  }
0x98: {  	_ =	strace s5  }
0x99: {  	s5 =	sld [smem:$0x3FFC];
	_ =	sdelay $0x3  }
0x9a: {  	_ =	strace s5  }
0x9b: {  	s5 =	sld [smem:$0x3FFD];
	_ =	sdelay $0x3  }
0x9c: {  	_ =	strace s5  }
0x9d: {  	_ =	strace $0x8FFFFFFF  }
0x9e: {  	s19 =	sld [smem:$0x3FDB];
	_ =	sdelay $0x1  }
0x9f: {  	s6 =	simm.s32 $_scs_section_size  }
0xa0: {  	s7 =	simm.s32 $_size__tile_overlayer_lowered;
	s8 =	simm.s32 $_tile_overlayer_lowered  }
0xa1: {  	s22 =	simm.s32 $0x1BFF;
	s21 =	sshll.u32 s8, $0x1;
	s5 =	sadd.s32 s6, s19  }
0xa2: {  	s9 =	simm.s32 $0x0;
	s20 =	sshll.u32 s7, $0x1;
	s7 =	sadd.s32 s21, s5  }
0xa3: {  	[timem:s9], [sflag:s22] =	dma.local [hbm:s7], s20  }
0xa4: {  	_ =	swait.ge [sflag:s22], s20  }
0xa5: {  	s6 =	ssub.s32 $0x0, s20;
	[sflag:s22] =	ssyncset.done $0x0  }
0xa6: {  	[sflag:s22] =	ssyncadd.s32 s6;
	_ =	sdelay $0x1  }
0xa7: {  	s23 =	simm.s32 $0x1B8B  }
0xa8: {  	_ =	swait.ge [sflag:s23], $0x1  }
0xa9: {  	[sflag:s23] =	ssyncset.done $0x0  }
0xaa: {  	s25 =	simm.s32 $0x1B8E;
	s24 =	sld [smem:$0x3FFE];
	[sflag:s23] =	ssyncadd.s32 $0xFFFFFFFF  }
0xab: {  	s26 =	simm.s32 $execute0_lowered;
	[smem:$0x3FD2] =	sst s25  }
0xac: {  	s7 =	sshll.u32 s26, $0x1;
	_ =	strace $0x80000046;
	[dreg:$0x1] =	wrdreg $0xFFFFFFFF  }
0xad: {  	s28 =	simm.s32 $_size_execute0_lowered;
	s5 =	sadd.s32 s5, s7;
	[dreg:$0x0] =	wrdreg $0x0  }
0xae: {  	s7 =	sshll.u32 s28, $0x1;
	[dreg:$0x2] =	wrdreg s5  }
0xaf: {  	[dreg:$0x3] =	wrdreg s7  }
0xb0: {  	[dreg:$0x4] =	wrdreg $0xC0  }
0xb1: {  	_ =	task [dreg:s9], $0x5FFFF  }
0xb2: {  	[dreg:$0x1] =	wrdreg $0xFFFFFFFF  }
0xb3: {  	[dreg:$0x0] =	wrdreg $0x60  }
0xb4: {  	[dreg:$0x2] =	wrdreg s24  }
0xb5: {  	[dreg:$0x3] =	wrdreg s16  }
0xb6: {  	[dreg:$0x4] =	wrdreg s17  }
0xb7: {  	[dreg:$0x5] =	wrdreg s18  }
0xb8: {  	[dreg:$0x6] =	wrdreg $0x9  }
0xb9: {  	_ =	task.clear_ibuf [dreg:s9], $0x7FFFF;
	_ =	strace $0x90000046  }
0xba: {  	s29 =	simm.s32 $0x9;
	_ =	strace $0x80000048  }
0xbb: {  	_ =	swait.ge [sflag:s29], $0x1  }
0xbc: {  	[sflag:s29] =	ssyncadd.s32 $0xFFFFFFFF  }
0xbd: {  	_ =	strace $0x90000048  }
0xbe: {  	_ =	sfence  }
0xbf: {  	s30 =	sld [smem:$0x0];
	_ =	sdelay $0x2  }
0xc0: {  	s31 =	sshll.u32 s1, $0xD;
	s1 =	sshrl.u32 s1, $0x2  }
0xc1: {  	s3 =	sand.u32 $0x4000, s31;
	s1 =	sadd.s32 s1, s30  }
0xc2: {  	s0 =	sor.u32 s3, s0;
	s1 =	sshll.u32 s1, $0x11  }
0xc3: {  	s0 =	sor.u32 s1, s0  }
0xc4: {  	s0 =	sadd.s32 $0x8F2B, s0  }
0xc5: {  	[sflag:s0] =	ssyncadd.remote.s32 $0x1  }
0xc6: {  	_ =	sfence.sel $0xFFFF  }
0xc7: {  	[dreg:$0x0] =	wrdreg $0xFFFFFFFF;
	(pc) =	sbr.abs _section_cstart, $3  }
0xc8: {  	[dreg:$0x1] =	wrdreg $0xFFFFFFFF  }
0xc9: {  	_ =	task.clear_ibuf [dreg:s9], $0x2FFFF;
	_ =	strace $0x9FFFFFFF  }
0xca: {  	(tm) =	ssettm $0x7FFFFFFF  }
0xcb: {  	_ =	shalt  }
tec
execute0_lowered:
.L_overlay_start_1:
0x0: {  	(tag) =	ssettag $0x1  }
0x1: {  	s3 =	rddreg [dreg:$0x0]  }
0x2: {  	s5 =	rddreg [dreg:$0x1]  }
0x3: {  	s6 =	rddreg [dreg:$0x2]  }
0x4: {  	s7 =	rddreg [dreg:$0x3];
	s2 =	srdreg.scid  }
0x5: {  	s0 =	rddreg [dreg:$0x4];
	s1 =	stileid.u32;
	s12 =	simm.s32 $0x5000  }
0x6: {  	s13 =	simm.s32 $0x5800;
	s14 =	simm.s32 $0x0;
	s4 =	sand.u32 $0x1, s2  }
0x7: {  	s2 =	simm.s32 $0x0;
	s8 =	sshll.u32 s1, $0xB;
	s9 =	sshll.u32 s4, $0xA  }
0x8: {  	[smem:$0x7FF] =	sst s2;
	s4 =	ssub.s32 $0x2, s4;
	s8 =	sor.u32 s9, s8  }
0x9: {  	_ =	strace $0x80000047;
	s31 =	sshrl.u32 s4, $0x1;
	s9 =	sadd.s32 s8, s3  }
0xa: {  	s10 =	ssub.s32 s4, s31;
	s11 =	sshrl.u32 s8, $0x1;
	s8 =	sshrl.u32 s8, $0x2  }
0xb: {  	s3 =	sadd.s32 $0x1600, s9;
	s4 =	sadd.s32 $0x9600, s9;
	s5 =	sadd.s32 s5, s11  }
0xc: {  	s6 =	sadd.s32 s6, s8;
	s7 =	sadd.s32 s7, s8;
	s8 =	smax.u32 s10, $0x1  }
0xd: {  	v0 =	vimm.s32 $0x0;
	v1 =	vimm.s32 $0x7F;
	s9 =	simm.s32 $0x1;
	s10 =	simm.s32 $0x2000;
	s11 =	simm.s32 $0x4000  }
.LBB2_1:
0xe: {  	[tilespmem:s2], [sflag:$0x1] =	stream.linear.gather [hbm4b:s3+s2], $0x2000, $0x38;
	[tilespmem:$0x6000] =	vst v63  }
0xf: {  	_ =	swait.ge [sflag:s9], $0x2000  }
0x10: {  	[sflag:s9] =	ssyncset.done $0x0  }
0x11: {  	[sflag:s9] =	ssyncadd.s32 $0xFFFFE000  }
0x12: {  	[tilespmem:s10], [sflag:$0x1] =	stream.linear.gather [hbm4b:s4+s2], $0x2000, $0x38;
	[tilespmem:$0x6000] =	vst v63  }
0x13: {  	_ =	swait.ge [sflag:s9], $0x2000  }
0x14: {  	s15 =	sand.u32 $0x70, s2;
	s17 =	simm.s32 $0x0;
	[sflag:s9] =	ssyncset.done $0x0  }
0x15: {  	s16 =	sor.u32 s15, s17;
	[sflag:s9] =	ssyncadd.s32 $0xFFFFE000  }
0x16: {  	v3 =	vld [tilespmem:s16+$0x80]  }
0x17: {  	v4 =	vld [tilespmem:s16+$0x0];
	_ =	sdelay $0x1  }
0x18: {  	v5 =	vld [tilespmem:s16+$0x100];
	_ =	sdelay $0x1  }
0x19: {  	v6 =	vld [tilespmem:s16+$0x180]  }
0x1a: {  	vm0 =	vgt.f32 v3, v4  }
0x1b: {  	v7 =	vld [tilespmem:s16+$0x200];
	v2 =	vsel vm0, v3, v4  }
0x1c: {  	vm1 =	vgt.f32 v5, v2  }
0x1d: {  	v8 =	vld [tilespmem:s16+$0x280];
	v2 =	vsel vm1, v5, v2  }
0x1e: {  	vm2 =	vgt.f32 v6, v2  }
0x1f: {  	s17 =	sor.u32 s17, s2;
	v9 =	vld [tilespmem:s16+$0x300];
	v2 =	vsel vm2, v6, v2  }
0x20: {  	s17 =	sor.u32 $0x380, s17;
	vm3 =	vgt.f32 v7, v2  }
0x21: {  	v10 =	vld [tilespmem:s17+$0x0];
	v2 =	vsel vm3, v7, v2  }
0x22: {  	vm5 =	vgt.f32 v8, v2  }
0x23: {  	v2 =	vsel vm5, v8, v2  }
0x24: {  	v11 =	vsel vm0, $0x1, v0;
	vm4 =	vgt.f32 v9, v2  }
0x25: {  	v11 =	vsel vm1, $0x2, v11;
	v2 =	vsel vm4, v9, v2  }
0x26: {  	v11 =	vsel vm2, $0x3, v11;
	vm0 =	vgt.f32 v10, v2  }
0x27: {  	v11 =	vsel vm3, $0x4, v11;
	vm7 =	vmneg vm0  }
0x28: {  	v11 =	vsel vm5, $0x5, v11;
	v12 =	vsel vm7, v2, v10  }
0x29: {  	v2 =	vsel vm4, $0x6, v11;
	v11 =	vsub.f32 v3, v12  }
0x2a: {  	v13 =	vsub.f32 v4, v12  }
0x2b: {  	v11 =	vmul.f32 $1.442695020e+00, v11  }
0x2c: {  	v13 =	vmul.f32 $1.442695020e+00, v13  }
0x2d: {  	(erf) = vpow2.f32 v11  }
0x2e: {  	v2 =	vnsel vm7, $0x7, v2;
	v15 =	vsub.f32 v8, v12;
	(erf) = vpow2.f32 v13  }
0x2f: {  	v16 =	vsub.f32 v5, v12;
	vm0 =	veq.s32 v2, $0x1;
	vm1 =	veq.s32 v2, $0x0  }
0x30: {  	v17 =	vsub.f32 v6, v12;
	v3 =	vsel vm0, $0xFF800000, v3;
	v4 =	vsel vm1, $0xFF800000, v4  }
0x31: {  	vm0 =	vlt.f32 v4, $-Inf;
	vm1 =	vgt.f32 v4, $-Inf;
	v11 =	vsub.f32 v7, v12  }
0x32: {  	vm5 =	veq.s32 v2, $0x2;
	v16 =	vmul.f32 $1.442695020e+00, v16;
	vm0 =	vmor vm1, vm0  }
0x33: {  	v17 =	vmul.f32 $1.442695020e+00, v17;
	v4 =	vnsel vm0, $0xFF800000, v4;
	v11 =	vmul.f32 $1.442695020e+00, v11  }
0x34: {  	v5 =	vsel vm5, $0xFF800000, v5;
	(erf) = vpow2.f32 v16;
	vm1 =	vgt.f32 v3, v4  }
0x35: {  	vm2 =	veq.s32 v2, $0x4;
	v3 =	vsel vm1, v3, v4;
	(erf) = vpow2.f32 v11  }
0x36: {  	v48 =	vld [tilespmem:s16+$0x2000];
	v4 =	vsel vm2, $0xFF800000, v7;
	vm2 =	vgt.f32 v5, v3;
	(erf) = vpow2.f32 v17;
	v7 =	vpop (erf)  }
0x37: {  	v14 =	vsub.f32 v9, v12;
	v47 =	vsub.f32 v10, v12;
	v11 =	vld [tilespmem:s16+$0x2080];
	v3 =	vsel vm2, v5, v3;
	v5 =	vpop (erf)  }
0x38: {  	vm3 =	veq.s32 v2, $0x3;
	v15 =	vmul.f32 $1.442695020e+00, v15;
	v5 =	vadd.f32 $0.0e+00, v5  }
0x39: {  	v49 =	vld [tilespmem:s16+$0x2100];
	v6 =	vsel vm3, $0xFF800000, v6;
	v14 =	vmul.f32 $1.442695020e+00, v14;
	v13 =	vmul.f32 $1.442695020e+00, v47  }
0x3a: {  	vm3 =	vgt.f32 v6, v3;
	(erf) = vpow2.f32 v15;
	v5 =	vadd.f32 v5, v7  }
0x3b: {  	vm5 =	veq.s32 v2, $0x5;
	v3 =	vsel vm3, v6, v3;
	v6 =	vld [tilespmem:s16+$0x2180];
	(erf) = vpow2.f32 v13  }
0x3c: {  	v8 =	vsel vm5, $0xFF800000, v8;
	vm8 =	vgt.f32 v11, v48;
	(erf) = vpow2.f32 v14  }
0x3d: {  	v50 =	vld [tilespmem:s16+$0x2200];
	vm5 =	vmand vm4, vm7;
	vm4 =	vgt.f32 v4, v3;
	v51 =	vsel vm8, v11, v48;
	v7 =	vpop (erf)  }
0x3e: {  	v3 =	vsel vm4, v4, v3;
	vm9 =	vgt.f32 v49, v51;
	v4 =	vadd.f32 v5, v7;
	v5 =	vpop (erf)  }
0x3f: {  	v52 =	vld [tilespmem:s16+$0x2280];
	v14 =	vsel vm9, v49, v51;
	v7 =	vsel vm5, $0xFF800000, v9;
	vm5 =	vgt.f32 v8, v3;
	v9 =	vpop (erf)  }
0x40: {  	vm10 =	vgt.f32 v6, v14;
	v3 =	vsel vm5, v8, v3;
	v4 =	vadd.f32 v4, v9  }
0x41: {  	v8 =	vnsel vm7, $0xFF800000, v10;
	v10 =	vsel vm10, v6, v14;
	vm6 =	vgt.f32 v7, v3;
	v9 =	vld [tilespmem:s16+$0x2300]  }
0x42: {  	vm12 =	vgt.f32 v50, v10;
	v7 =	vsel vm6, v7, v3;
	v4 =	vadd.f32 v4, v5  }
0x43: {  	v3 =	vld [tilespmem:s17+$0x2000];
	v10 =	vsel vm12, v50, v10;
	vm7 =	vgt.f32 v8, v7;
	v5 =	vpop (erf)  }
0x44: {  	vm13 =	vgt.f32 v52, v10;
	v7 =	vsel vm7, v8, v7;
	v4 =	vadd.f32 v4, v5;
	v5 =	vpop (erf)  }
0x45: {  	v10 =	vsel vm13, v52, v10;
	v7 =	vsub.f32 v7, v12;
	v8 =	vpop (erf)  }
0x46: {  	vm14 =	vgt.f32 v9, v10;
	v4 =	vadd.f32 v4, v8  }
0x47: {  	v7 =	vmul.f32 $1.442695020e+00, v7;
	v8 =	vsel vm14, v9, v10  }
0x48: {  	vm11 =	vgt.f32 v3, v8;
	v4 =	vadd.f32 v4, v5  }
0x49: {  	(erf) = vpow2.f32 v7;
	v5 =	vsel vm8, $0x1, v0;
	vm11 =	vmneg vm11  }
0x4a: {  	(erf) = vrcp.f32 v4;
	v4 =	vsel vm9, $0x2, v5;
	v5 =	vsel vm11, v8, v3  }
0x4b: {  	v4 =	vsel vm10, $0x3, v4;
	v7 =	vsub.f32 v48, v5;
	v8 =	vsub.f32 v11, v5  }
0x4c: {  	vm10 =	vmand vm14, vm11;
	v10 =	vsub.f32 v49, v5;
	v53 =	vsub.f32 v6, v5  }
0x4d: {  	v54 =	vsub.f32 v50, v5;
	v4 =	vsel vm12, $0x4, v4;
	v7 =	vmul.f32 $1.442695020e+00, v7  }
0x4e: {  	v18 =	vsub.f32 v52, v5;
	v56 =	vsub.f32 v9, v5;
	v4 =	vsel vm13, $0x5, v4  }
0x4f: {  	v8 =	vmul.f32 $1.442695020e+00, v8;
	v4 =	vsel vm14, $0x6, v4;
	(erf) = vpow2.f32 v7  }
0x50: {  	v10 =	vmul.f32 $1.442695020e+00, v10;
	v12 =	vmul.f32 $1.442695020e+00, v53;
	v4 =	vnsel vm11, $0x7, v4  }
0x51: {  	v55 =	vmul.f32 $1.442695020e+00, v18;
	(erf) = vpow2.f32 v8;
	vm8 =	veq.s32 v4, $0x0  }
0x52: {  	v18 =	vmul.f32 $1.442695020e+00, v56;
	v7 =	vmul.f32 $1.442695020e+00, v54;
	v16 =	vsel vm8, $0xFF800000, v48  }
0x53: {  	(erf) = vpow2.f32 v10;
	vm8 =	vlt.f32 v16, $-Inf;
	vm14 =	vgt.f32 v16, $-Inf  }
0x54: {  	v8 =	vsub.f32 v3, v5;
	vm9 =	veq.s32 v4, $0x1;
	vm8 =	vmor vm14, vm8  }
0x55: {  	v11 =	vsel vm9, $0xFF800000, v11;
	(erf) = vpow2.f32 v12;
	v57 =	vnsel vm8, $0xFF800000, v16  }
0x56: {  	vm12 =	veq.s32 v4, $0x2;
	vm13 =	veq.s32 v4, $0x3;
	v10 =	vpop (erf);
	vm9 =	vgt.f32 v11, v57  }
0x57: {  	vm15 =	veq.s32 v4, $0x4;
	v59 =	vsel vm12, $0xFF800000, v49;
	v58 =	vpop (erf);
	v11 =	vsel vm9, v11, v57  }
0x58: {  	(erf) = vpow2.f32 v7;
	v7 =	vsel vm10, $0xFF800000, v9;
	vm10 =	vgt.f32 v59, v11;
	v60 =	vpop (erf)  }
0x59: {  	v6 =	vsel vm13, $0xFF800000, v6;
	v11 =	vsel vm10, v59, v11;
	v9 =	vadd.f32 $0.0e+00, v60  }
0x5a: {  	v62 =	vsel vm15, $0xFF800000, v50;
	(erf) = vpow2.f32 v55;
	v61 =	vpop (erf);
	vm12 =	vgt.f32 v6, v11  }
0x5b: {  	v8 =	vmul.f32 $1.442695020e+00, v8;
	v11 =	vsel vm12, v6, v11;
	v9 =	vadd.f32 v9, v61  }
0x5c: {  	vm14 =	veq.s32 v4, $0x5;
	v10 =	vmul.f32 v10, v58;
	(erf) = vpow2.f32 v18;
	v63 =	vpop (erf)  }
0x5d: {  	(erf) = vpow2.f32 v8;
	vm13 =	vgt.f32 v62, v11;
	v13 =	vadd.f32 v9, v63  }
0x5e: {  	s18 =	simm.s32 $0x1;
	v6 =	vmul.f32 $1.442695020e+00, v10;
	v10 =	vsel vm14, $0xFF800000, v52;
	v9 =	vsel vm13, v62, v11;
	v11 =	vpop (erf)  }
0x5f: {  	s19 =	simm.s32 $0x0;
	s17 =	simm.s32 $0x0;
	s16 =	simm.s32 $0x0;
	v8 =	vmul.f32 $1.442695020e+00, v58;
	vm14 =	vgt.f32 v10, v9;
	v11 =	vadd.f32 v13, v11  }
.LBB2_2:
0x60: {  	p0 =	sne.s32 s18, $0x3F  }
0x61: {  	v12 =	vsel vm14, v10, v9;
	s19 =	sadd.s32 $0x10, s19;
	v10 =	vpop (erf);
	s21 =	smov.u32 s18;
	s18 =	sadd.s32 $0x1, s18  }
0x62: {  	v10 =	vadd.f32 v11, v10;
	vm15 =	vgt.f32 v7, v12  }
0x63: {  	v3 =	vnsel vm11, $0xFF800000, v3;
	v11 =	vsel vm15, v7, v12;
	v9 =	vpop (erf)  }
0x64: {  	v9 =	vadd.f32 v10, v9;
	vm11 =	vgt.f32 v3, v11  }
0x65: {  	v3 =	vsel vm11, v3, v11;
	v7 =	vpop (erf)  }
0x66: {  	v7 =	vadd.f32 v9, v7;
	v3 =	vsub.f32 v3, v5  }
0x67: {  	v5 =	vpop (erf)  }
0x68: {  	v5 =	vadd.f32 v7, v5;
	v3 =	vmul.f32 $1.442695020e+00, v3;
	_ =	sdelay $0x1  }
0x69: {  	(erf) = vrcp.f32 v5  }
0x6a: {  	(erf) = vpow2.f32 v3;
	_ =	sdelay $0x7  }
0x6b: {  	v3 =	vpop (erf);
	(erf) = vpow2.f32 v8  }
0x6c: {  	v5 =	vmul.f32 $1.442695020e+00, v3;
	v7 =	vpop (erf);
	(erf) = vpow2.f32 v6  }
0x6d: {  	v3 =	vmul.f32 v7, v3  }
0x6e: {  	(erf) = vpow2.f32 v5  }
0x6f: {  	v3 =	vmul.f32 $1.442695020e+00, v3;
	_ =	sdelay $0x1  }
0x70: {  	(erf) = vpow2.f32 v3;
	_ =	sdelay $0x2  }
0x71: {  	v3 =	vpop (erf)  }
0x72: {  	v5 =	vpop (erf)  }
0x73: {  	v6 =	vadd.f32 v5, v3  }
0x74: {  	v7 =	vpop (erf)  }
0x75: {  	v6 =	vadd.f32 v6, v7;
	_ =	sdelay $0x1  }
0x76: {  	v8 =	vpop (erf)  }
0x77: {  	v6 =	vadd.f32 v8, v6;
	_ =	sdelay $0x1  }
0x78: {  	(erf) = vrcp.f32 v6;
	_ =	sdelay $0x1  }
0x79: {  	s20 =	sshrl.u32 s21, $0x3  }
0x7a: {  	s23 =	sand.u32 $0x70, s19;
	s22 =	sshll.u32 s20, $0xA;
	s24 =	sshll.u32 s20, $0x8  }
0x7b: {  	s20 =	sor.u32 s23, s22;
	s22 =	sor.u32 s22, s19  }
0x7c: {  	s22 =	sor.u32 $0x380, s22;
	_ =	sdelay $0x2  }
0x7d: {  	v9 =	vsel vm8, $0x0, v1;
	v6 =	vsel vm0, $0x0, v1  }
0x7e: {  	s25 =	sshll.u32 s17, $0x6;
	s17 =	smov.u32 s21;
	v9 =	vsel vm9, $0x1, v9;
	v6 =	vsel vm1, $0x1, v6;
	v10 =	vpop (erf)  }
0x7f: {  	s21 =	sand.u32 $0x3FFFFE00, s25;
	v9 =	vsel vm10, $0x2, v9;
	v3 =	vmul.f32 v10, v3;
	v5 =	vmul.f32 v10, v5  }
0x80: {  	s21 =	sor.u32 s15, s21;
	v9 =	vsel vm12, $0x3, v9;
	v7 =	vmul.f32 v10, v7;
	v8 =	vmul.f32 v10, v8  }
0x81: {  	v9 =	vsel vm13, $0x4, v9;
	v6 =	vsel vm2, $0x2, v6;
	[tilespmem:s21+$0x4000] =	vst v3  }
0x82: {  	v3 =	vsel vm3, $0x3, v6;
	v6 =	vsel vm14, $0x5, v9;
	[tilespmem:s21+$0x4080] =	vst v5  }
0x83: {  	v3 =	vsel vm4, $0x4, v3;
	v5 =	vsel vm15, $0x6, v6;
	[tilespmem:s21+$0x4180] =	vst v8  }
0x84: {  	v3 =	vsel vm5, $0x5, v3;
	v5 =	vsel vm11, $0x7, v5;
	[tilespmem:s21+$0x4100] =	vst v7;
	s21 =	sor.u32 s15, s16;
	s15 =	smov.u32 s23;
	s16 =	smov.u32 s24  }
0x85: {  	v3 =	vsel vm6, $0x6, v3;
	[tilespmem:s21+$0x5880] =	vst v5  }
0x86: {  	v3 =	vsel vm7, $0x7, v3;
	[tilespmem:s21+$0x5000] =	vst v2  }
0x87: {  	[tilespmem:s21+$0x5800] =	vst v4  }
0x88: {  	[tilespmem:s21+$0x5080] =	vst v3  }
0x89: {  	v4 =	vld [tilespmem:s20+$0x80]  }
0x8a: {  	v5 =	vld [tilespmem:s20+$0x0]  }
0x8b: {  	v3 =	vld [tilespmem:s22+$0x2000]  }
0x8c: {  	v6 =	vld [tilespmem:s20+$0x100];
	_ =	sdelay $0x1  }
0x8d: {  	v7 =	vld [tilespmem:s20+$0x180]  }
0x8e: {  	vm0 =	vgt.f32 v4, v5  }
0x8f: {  	v8 =	vld [tilespmem:s20+$0x200];
	v2 =	vsel vm0, v4, v5  }
0x90: {  	vm1 =	vgt.f32 v6, v2  }
0x91: {  	v10 =	vsel vm0, $0x1, v0;
	v9 =	vld [tilespmem:s20+$0x280];
	v2 =	vsel vm1, v6, v2  }
0x92: {  	v10 =	vsel vm1, $0x2, v10;
	vm0 =	vgt.f32 v7, v2  }
0x93: {  	v11 =	vld [tilespmem:s20+$0x300];
	v2 =	vsel vm0, v7, v2;
	v10 =	vsel vm0, $0x3, v10  }
0x94: {  	vm0 =	vgt.f32 v8, v2  }
0x95: {  	v12 =	vld [tilespmem:s22+$0x0];
	v2 =	vsel vm0, v8, v2;
	v10 =	vsel vm0, $0x4, v10  }
0x96: {  	vm0 =	vgt.f32 v9, v2  }
0x97: {  	v2 =	vsel vm0, v9, v2;
	v10 =	vsel vm0, $0x5, v10  }
0x98: {  	vm3 =	vgt.f32 v11, v2  }
0x99: {  	v2 =	vsel vm3, v11, v2;
	v10 =	vsel vm3, $0x6, v10  }
0x9a: {  	vm0 =	vgt.f32 v12, v2  }
0x9b: {  	vm7 =	vmneg vm0  }
0x9c: {  	v13 =	vsel vm7, v2, v12;
	v2 =	vnsel vm7, $0x7, v10  }
0x9d: {  	v10 =	vsub.f32 v4, v13;
	vm0 =	veq.s32 v2, $0x1;
	v14 =	vsub.f32 v11, v13  }
0x9e: {  	vm1 =	veq.s32 v2, $0x0;
	vm2 =	veq.s32 v2, $0x4;
	v15 =	vsub.f32 v9, v13  }
0x9f: {  	v16 =	vsub.f32 v8, v13;
	v17 =	vsub.f32 v12, v13;
	v10 =	vmul.f32 $1.442695020e+00, v10  }
0xa0: {  	v18 =	vsub.f32 v5, v13;
	v19 =	vsub.f32 v7, v13;
	v15 =	vmul.f32 $1.442695020e+00, v15  }
0xa1: {  	v20 =	vsub.f32 v6, v13;
	v4 =	vsel vm0, $0xFF800000, v4  }
0xa2: {  	vm4 =	veq.s32 v2, $0x3;
	v18 =	vmul.f32 $1.442695020e+00, v18;
	v17 =	vmul.f32 $1.442695020e+00, v17  }
0xa3: {  	v5 =	vsel vm1, $0xFF800000, v5;
	v20 =	vmul.f32 $1.442695020e+00, v20;
	(erf) = vpow2.f32 v10  }
0xa4: {  	vm0 =	vlt.f32 v5, $-Inf;
	vm1 =	vgt.f32 v5, $-Inf;
	(erf) = vpow2.f32 v18  }
0xa5: {  	vm0 =	vmor vm1, vm0;
	vm1 =	veq.s32 v2, $0x2;
	v10 =	vmul.f32 $1.442695020e+00, v19  }
0xa6: {  	v5 =	vnsel vm0, $0xFF800000, v5;
	v6 =	vsel vm1, $0xFF800000, v6  }
0xa7: {  	v8 =	vsel vm2, $0xFF800000, v8;
	v16 =	vmul.f32 $1.442695020e+00, v16;
	vm1 =	vgt.f32 v4, v5  }
0xa8: {  	v7 =	vsel vm4, $0xFF800000, v7;
	vm2 =	veq.s32 v2, $0x5;
	(erf) = vpow2.f32 v20  }
0xa9: {  	v4 =	vsel vm1, v4, v5;
	v5 =	vsel vm2, $0xFF800000, v9;
	(erf) = vpow2.f32 v16  }
0xaa: {  	vm3 =	vmand vm3, vm7;
	vm2 =	vgt.f32 v6, v4;
	(erf) = vpow2.f32 v10  }
0xab: {  	v9 =	vsel vm3, $0xFF800000, v11;
	v4 =	vsel vm2, v6, v4;
	v6 =	vld [tilespmem:s20+$0x2080];
	(erf) = vpow2.f32 v15  }
0xac: {  	vm3 =	vgt.f32 v7, v4;
	v10 =	vld [tilespmem:s20+$0x2000];
	v11 =	vpop (erf)  }
0xad: {  	v4 =	vsel vm3, v7, v4;
	v7 =	vpop (erf)  }
0xae: {  	v14 =	vmul.f32 $1.442695020e+00, v14;
	vm4 =	vgt.f32 v8, v4;
	v7 =	vadd.f32 $0.0e+00, v7  }
0xaf: {  	v4 =	vsel vm4, v8, v4;
	v8 =	vld [tilespmem:s20+$0x2100];
	(erf) = vpow2.f32 v17  }
0xb0: {  	vm5 =	vgt.f32 v5, v4;
	v7 =	vadd.f32 v7, v11;
	(erf) = vpow2.f32 v14  }
0xb1: {  	v4 =	vsel vm5, v5, v4;
	v11 =	vld [tilespmem:s20+$0x2180];
	vm8 =	vgt.f32 v6, v10;
	v5 =	vpop (erf)  }
0xb2: {  	vm6 =	vgt.f32 v9, v4;
	v5 =	vadd.f32 v7, v5;
	v7 =	vnsel vm7, $0xFF800000, v12;
	v12 =	vpop (erf)  }
0xb3: {  	v4 =	vsel vm6, v9, v4;
	v14 =	vsel vm8, v6, v10;
	v9 =	vld [tilespmem:s20+$0x2200];
	v15 =	vpop (erf)  }
0xb4: {  	vm7 =	vgt.f32 v7, v4;
	v5 =	vadd.f32 v5, v15;
	vm9 =	vgt.f32 v8, v14;
	v15 =	vpop (erf)  }
0xb5: {  	v4 =	vsel vm7, v7, v4;
	v16 =	vld [tilespmem:s20+$0x2280];
	v7 =	vsel vm9, v8, v14  }
0xb6: {  	v4 =	vsub.f32 v4, v13;
	v5 =	vadd.f32 v5, v12;
	vm14 =	vgt.f32 v11, v7  }
0xb7: {  	v12 =	vld [tilespmem:s20+$0x2300];
	v7 =	vsel vm14, v11, v7  }
0xb8: {  	v4 =	vmul.f32 $1.442695020e+00, v4;
	v5 =	vadd.f32 v5, v15;
	vm15 =	vgt.f32 v9, v7;
	v13 =	vpop (erf)  }
0xb9: {  	v7 =	vsel vm15, v9, v7;
	v14 =	vpop (erf)  }
0xba: {  	v5 =	vadd.f32 v5, v14;
	vm12 =	vgt.f32 v16, v7  }
0xbb: {  	v7 =	vsel vm12, v16, v7  }
0xbc: {  	v5 =	vadd.f32 v5, v13;
	vm13 =	vgt.f32 v12, v7  }
0xbd: {  	v7 =	vsel vm13, v12, v7;
	(erf) = vpow2.f32 v4  }
0xbe: {  	vm10 =	vgt.f32 v3, v7;
	(erf) = vrcp.f32 v5  }
0xbf: {  	v4 =	vsel vm8, $0x1, v0;
	vm11 =	vmneg vm10  }
0xc0: {  	v4 =	vsel vm9, $0x2, v4;
	v5 =	vsel vm11, v7, v3;
	vm10 =	vmand vm13, vm11  }
0xc1: {  	v4 =	vsel vm14, $0x3, v4;
	v7 =	vsub.f32 v10, v5;
	v13 =	vsub.f32 v6, v5  }
0xc2: {  	v4 =	vsel vm15, $0x4, v4;
	v14 =	vsub.f32 v8, v5;
	v15 =	vsub.f32 v11, v5  }
0xc3: {  	v17 =	vsub.f32 v9, v5;
	v7 =	vmul.f32 $1.442695020e+00, v7;
	v13 =	vmul.f32 $1.442695020e+00, v13  }
0xc4: {  	v18 =	vsub.f32 v16, v5;
	v14 =	vmul.f32 $1.442695020e+00, v14;
	v15 =	vmul.f32 $1.442695020e+00, v15  }
0xc5: {  	v4 =	vsel vm12, $0x5, v4;
	v17 =	vmul.f32 $1.442695020e+00, v17;
	(erf) = vpow2.f32 v7  }
0xc6: {  	v4 =	vsel vm13, $0x6, v4;
	v18 =	vmul.f32 $1.442695020e+00, v18;
	v7 =	vsub.f32 v12, v5;
	v19 =	vpop (erf)  }
0xc7: {  	v20 =	vsub.f32 v3, v5;
	v4 =	vnsel vm11, $0x7, v4;
	v21 =	vpop (erf);
	(erf) = vpow2.f32 v13  }
0xc8: {  	vm8 =	veq.s32 v4, $0x0;
	vm9 =	veq.s32 v4, $0x1;
	vm12 =	veq.s32 v4, $0x2  }
0xc9: {  	vm15 =	veq.s32 v4, $0x3;
	v10 =	vsel vm8, $0xFF800000, v10;
	(erf) = vpow2.f32 v14  }
0xca: {  	vm13 =	veq.s32 v4, $0x4;
	vm8 =	vlt.f32 v10, $-Inf;
	vm14 =	vgt.f32 v10, $-Inf  }
0xcb: {  	vm8 =	vmor vm14, vm8;
	vm14 =	veq.s32 v4, $0x5;
	(erf) = vpow2.f32 v15  }
0xcc: {  	v6 =	vsel vm9, $0xFF800000, v6;
	v13 =	vmul.f32 $1.442695020e+00, v7;
	v15 =	vnsel vm8, $0xFF800000, v10  }
0xcd: {  	v14 =	vmul.f32 $1.442695020e+00, v20;
	vm9 =	vgt.f32 v6, v15;
	(erf) = vpow2.f32 v17  }
0xce: {  	v8 =	vsel vm12, $0xFF800000, v8;
	v7 =	vsel vm10, $0xFF800000, v12;
	v6 =	vsel vm9, v6, v15;
	v10 =	vpop (erf)  }
0xcf: {  	vm10 =	vgt.f32 v8, v6;
	v10 =	vadd.f32 $0.0e+00, v10;
	(erf) = vpow2.f32 v18  }
0xd0: {  	v12 =	vmul.f32 v19, v21;
	v6 =	vsel vm10, v8, v6;
	v8 =	vsel vm15, $0xFF800000, v11;
	v11 =	vpop (erf)  }
.Ltmp0:
0xd1: {  	vm12 =	vgt.f32 v8, v6;
	v10 =	vadd.f32 v10, v11;
	(erf) = vpow2.f32 v13;
	(pc) =	sbr.rel @p0 .LBB2_2-.Ltmp0, $4  }
0xd2: {  	v9 =	vsel vm13, $0xFF800000, v9;
	v8 =	vsel vm12, v8, v6;
	v6 =	vmul.f32 $1.442695020e+00, v12;
	v11 =	vpop (erf)  }
0xd3: {  	vm13 =	vgt.f32 v9, v8;
	v11 =	vadd.f32 v10, v11;
	(erf) = vpow2.f32 v14  }
0xd4: {  	v9 =	vsel vm13, v9, v8;
	v10 =	vsel vm14, $0xFF800000, v16;
	v8 =	vmul.f32 $1.442695020e+00, v21;
	v12 =	vpop (erf)  }
0xd5: {  	vm14 =	vgt.f32 v10, v9;
	v11 =	vadd.f32 v11, v12  }
0xd6: {  	v12 =	vpop (erf)  }
0xd7: {  	v9 =	vsel vm14, v10, v9;
	v47 =	vadd.f32 v11, v12  }
0xd8: {  	vm15 =	vgt.f32 v7, v9;
	v48 =	vpop (erf)  }
0xd9: {  	v3 =	vnsel vm11, $0xFF800000, v3;
	v7 =	vsel vm15, v7, v9;
	v49 =	vadd.f32 v47, v48  }
0xda: {  	vm11 =	vgt.f32 v3, v7;
	v50 =	vpop (erf)  }
0xdb: {  	v3 =	vsel vm11, v3, v7;
	v51 =	vadd.f32 v49, v50  }
0xdc: {  	v3 =	vsub.f32 v3, v5;
	v52 =	vpop (erf)  }
0xdd: {  	v5 =	vadd.f32 v51, v52  }
0xde: {  	v3 =	vmul.f32 $1.442695020e+00, v3  }
0xdf: {  	(erf) = vrcp.f32 v5  }
0xe0: {  	(erf) = vpow2.f32 v3;
	_ =	sdelay $0x7  }
0xe1: {  	(erf) = vpow2.f32 v8;
	v3 =	vpop (erf)  }
0xe2: {  	(erf) = vpow2.f32 v6;
	v54 =	vpop (erf)  }
0xe3: {  	v53 =	vmul.f32 $1.442695020e+00, v3;
	v3 =	vmul.f32 v54, v3;
	_ =	sdelay $0x1  }
0xe4: {  	(erf) = vpow2.f32 v53;
	v3 =	vmul.f32 $1.442695020e+00, v3;
	_ =	sdelay $0x1  }
0xe5: {  	(erf) = vpow2.f32 v3;
	_ =	sdelay $0x3  }
0xe6: {  	v3 =	vpop (erf)  }
0xe7: {  	v55 =	vpop (erf)  }
0xe8: {  	v56 =	vadd.f32 v55, v3  }
0xe9: {  	v57 =	vpop (erf)  }
0xea: {  	v6 =	vadd.f32 v56, v57  }
0xeb: {  	v58 =	vpop (erf)  }
0xec: {  	v6 =	vadd.f32 v58, v6;
	_ =	sdelay $0x1  }
0xed: {  	(erf) = vrcp.f32 v6;
	_ =	sdelay $0x7  }
0xee: {  	v59 =	vsel vm8, $0x0, v1  }
0xef: {  	s17 =	sshll.u32 s17, $0x6;
	v6 =	vsel vm9, $0x1, v59;
	v60 =	vpop (erf)  }
0xf0: {  	s17 =	sand.u32 $0x3FFFFE00, s17;
	v6 =	vsel vm10, $0x2, v6;
	v3 =	vmul.f32 v60, v3  }
0xf1: {  	v61 =	vsel vm0, $0x0, v1;
	s17 =	sor.u32 s15, s17;
	v6 =	vsel vm12, $0x3, v6;
	v5 =	vmul.f32 v60, v55  }
0xf2: {  	v10 =	vsel vm1, $0x1, v61;
	v6 =	vsel vm13, $0x4, v6;
	v8 =	vmul.f32 v60, v58;
	[tilespmem:s17+$0x4000] =	vst v3  }
0xf3: {  	v62 =	vsel vm2, $0x2, v10;
	v6 =	vsel vm14, $0x5, v6;
	v3 =	vmul.f32 v60, v57;
	[tilespmem:s17+$0x4080] =	vst v5  }
0xf4: {  	v63 =	vsel vm3, $0x3, v62;
	v6 =	vsel vm15, $0x6, v6;
	[tilespmem:s17+$0x4180] =	vst v8  }
0xf5: {  	s31 =	sor.u32 s15, s16;
	v6 =	vsel vm11, $0x7, v6;
	v5 =	vsel vm4, $0x4, v63;
	[tilespmem:s17+$0x4100] =	vst v3  }
0xf6: {  	v3 =	vsel vm5, $0x5, v5;
	[tilespmem:s31+$0x5880] =	vst v6  }
0xf7: {  	v3 =	vsel vm6, $0x6, v3;
	[tilespmem:s31+$0x5000] =	vst v2  }
0xf8: {  	[tilespmem:s31+$0x5800] =	vst v4;
	v2 =	vsel vm7, $0x7, v3  }
0xf9: {  	[tilespmem:s31+$0x5080] =	vst v2  }
0xfa: {  	[hbm4b:s5+s2] =	stream.linear.scatter [tilespmem:s11], [sflag:$0x1], $0x1000, $0x38;
	[tilespmem:$0x6000] =	vst v63  }
0xfb: {  	_ =	swait.ge [sflag:s9], $0x1000  }
0xfc: {  	[sflag:s9] =	ssyncset.done $0x0  }
0xfd: {  	[sflag:s9] =	ssyncadd.s32 $0xFFFFF000  }
0xfe: {  	[hbm4b:s6+s2] =	stream.linear.scatter [tilespmem:s12], [sflag:$0x1], $0x800, $0x38;
	[tilespmem:$0x6000] =	vst v63  }
0xff: {  	s14 =	sadd.s32 $0x1, s14;
	_ =	swait.ge [sflag:s9], $0x800  }
0x100: {  	p0 =	sne.s32 s14, s8;
	[sflag:s9] =	ssyncset.done $0x0  }
.Ltmp1:
0x101: {  	[sflag:s9] =	ssyncadd.s32 $0xFFFFF800;
	(pc) =	sbr.rel @p0 .LBB2_1-.Ltmp1, $4  }
0x102: {  	[hbm4b:s7+s2] =	stream.linear.scatter [tilespmem:s13], [sflag:$0x1], $0x800, $0x38;
	[tilespmem:$0x6000] =	vst v63  }
0x103: {  	_ =	swait.ge [sflag:s9], $0x800  }
0x104: {  	[sflag:s9] =	ssyncset.done $0x0  }
0x105: {  	[sflag:s9] =	ssyncadd.s32 $0xFFFFF800  }
0x106: {  	_ =	sfence.sel $0x180000  }
0x107: {  	[bflag:$0x0] =	sbarrier.arrive $0xFFFF  }
0x108: {  	p0 =	sne.s32 s1, $0x0;
	_ =	strace $0x90000047  }
0x109: {  	s0 =	sadd.s32 @!p0 $0x100000, s0;
	[bflag:$0x2] =	sbarrier.arrive $0xFFFF  }
0x10a: {  	[sflag:s0] =	ssyncadd.tile.s32 @!p0 $0x1;
	_ =	shalt  }
.Lfunc_end2:
_tile_overlayer_lowered:
.L_overlay_start_2:
0x10b: {  	(tag) =	ssettag $0x2  }
0x10c: {  	s0 =	rddreg [dreg:$0x0];
	s2 =	stileid.u32  }
0x10d: {  	s1 =	rddreg [dreg:$0x1];
	p0 =	sne.s32 s2, $0x0  }
0x10e: {  	s3 =	rddreg [dreg:$0x2];
	[bflag:$0x3] =	sbarrier.arrive $0xFFFF;
	s2 =	simm.s32 @!p0 $0x1C02  }
0x10f: {  	[timem:s3], [sflag:s2] =	dma.local @!p0 [hbm:s0], s1  }
0x110: {  	s0 =	simm.s32 @!p0 $0x2  }
0x111: {  	_ =	swait.ge @!p0 [sflag:s0], s1  }
0x112: {  	s1 =	ssub.s32 @!p0 $0x0, s1;
	[sflag:s0] =	ssyncset.done @!p0 $0x0  }
0x113: {  	[sflag:s0] =	ssyncadd.s32 @!p0 s1  }
0x114: {  	[bflag:$0x3] =	sbarrier.arrive $0xFFFF  }
0x115: {  	_ =	shalt  }

</sc_bundles>
